<compile_context>
chip_gen: v7x
topology: tpu7x:2x2x1
jax: 0.10.2.dev20260603
libtpu: 0.0.44.dev20260713+nightly
codegen_flags: <defaults>
</compile_context>

<pallas_src>
import functools

import jax
import jax.numpy as jnp
from jax import lax
from jax.experimental import pallas as pl
from jax.experimental.pallas import tpu as pltpu
from jax.experimental.pallas import tpu_sc as plsc

_BATCH = 4096
_SEQ = 200
_D = 128
_B = _BATCH * _SEQ
_NW = 32
_B_PER_W = _B // _NW
_CHUNK = 128
_N_CHUNKS = _B_PER_W // _CHUNK
_NBUF = 5
_K = 3
_V = 1000


def _emb_body(idx_hbm, table_hbm, out_hbm, idx_v, rows, table_sp, gsems,
              ssems):
    sid = lax.axis_index("s")
    wid = sid * 2 + lax.axis_index("c")
    base = wid * _B_PER_W
    @pl.when(sid == 0)
    def _():
        pltpu.sync_copy(table_hbm, table_sp)
    pltpu.sync_copy(idx_hbm.at[wid], idx_v)
    plsc.subcore_barrier()

    def gather(j, b):
        pltpu.async_copy(table_sp.at[idx_v.at[j]], rows[b], gsems[b])

    def gwait(b):
        pltpu.make_async_copy(table_sp.at[idx_v.at[0]], rows[b],
                              gsems[b]).wait()

    def store(j, b):
        pltpu.async_copy(rows[b],
                         out_hbm.at[pl.ds(base + j * _CHUNK, _CHUNK)],
                         ssems[b])

    def swait(b):
        pltpu.make_async_copy(rows[b],
                              out_hbm.at[pl.ds(base, _CHUNK)],
                              ssems[b]).wait()

    def step(j, b, do_swait, do_gather):
        nb = (b + _K) % _NBUF
        if do_swait:
            swait(nb)
        if do_gather:
            gather(j + _K, nb)
        gwait(b)
        store(j, b)

    for j in range(_K):
        gather(j, j)
    for j in range(_NBUF):
        step(j, j, j + _K >= _NBUF, True)

    def body(t, _):
        for b in range(_NBUF):
            step(t * _NBUF + b, b, True, True)
        return 0

    _ep_start = ((_N_CHUNKS - _K) // _NBUF) * _NBUF
    lax.fori_loop(1, _ep_start // _NBUF, body, 0)

    for j in range(_ep_start, _N_CHUNKS):
        do_g = j + _K < _N_CHUNKS
        step(j, j % _NBUF, do_g, do_g)
    for b in range(_NBUF):
        swait(b)


_emb_kernel = functools.partial(
    pl.kernel,
    out_type=jax.ShapeDtypeStruct((_B, _D), jnp.float32),
    mesh=plsc.VectorSubcoreMesh(core_axis_name="c", subcore_axis_name="s"),
    scratch_types=[
        pltpu.VMEM((_N_CHUNKS, _CHUNK), jnp.int32),
        [pltpu.VMEM((_CHUNK, _D), jnp.float32)] * _NBUF,
        pltpu.VMEM_SHARED((_V, _D), jnp.float32),
        [pltpu.SemaphoreType.DMA] * _NBUF,
        [pltpu.SemaphoreType.DMA] * _NBUF,
    ],
)(_emb_body)


def kernel(actions, emb_weight):
    idx = actions.reshape(_NW, _N_CHUNKS, _CHUNK).astype(jnp.int32)
    out = _emb_kernel(idx, emb_weight)
    return out.reshape(_BATCH, _SEQ, _D)

# --- scband reference (transcript-rebuilt; emitter-appended) ---
"""Pipeline reference for scband-simple-action-encoder-62766652064097 (READ-ONLY COPY).

The authoritative reference and input builder live on the scoring server;
editing this copy changes nothing except your own understanding.
"""

import jax, jax.numpy as jnp
import numpy as np

NUM_ACTIONS = 1000
D_MODEL = 128
BATCH = 4096
SEQ = 200

def setup_inputs(seed: int = 0) -> dict:
    key = jax.random.key(seed)
    k_idx, k_w = jax.random.split(key)
    actions = jax.random.randint(k_idx, (BATCH, SEQ), 0, NUM_ACTIONS, dtype=jnp.int64 if jax.config.jax_enable_x64 else jnp.int32)
    emb_weight = jax.random.normal(k_w, (NUM_ACTIONS, D_MODEL), dtype=jnp.float32) * 0.02
    return {"actions": actions, "emb_weight": emb_weight}

def reference(actions, emb_weight):
    # nn.Embedding lookup: table[idx]; dropout is identity in eval mode
    embedded = jnp.take(emb_weight, actions, axis=0)
    return embedded

if __name__ == "__main__":
    import jax
    _d = setup_inputs()
    print(jax.jit(kernel)(*tuple(_d.values())))

</pallas_src>

<mosaic_0001>
#map = affine_map<(d0, d1) -> (0, 0, 0)>
#map1 = affine_map<(d0, d1) -> (0, 0)>
module attributes {stable_mosaic.version = 14 : i64} {
  func.func @_emb_body(%arg0: i32, %arg1: i32, %arg2: memref<32x200x128xi32, #tpu.memory_space<hbm>>, %arg3: memref<1000x128xf32, #tpu.memory_space<hbm>>, %arg4: memref<819200x128xf32, #tpu.memory_space<hbm>>, %arg5: memref<200x128xi32, #tpu.memory_space<vmem>>, %arg6: memref<128x128xf32, #tpu.memory_space<vmem>>, %arg7: memref<128x128xf32, #tpu.memory_space<vmem>>, %arg8: memref<128x128xf32, #tpu.memory_space<vmem>>, %arg9: memref<128x128xf32, #tpu.memory_space<vmem>>, %arg10: memref<128x128xf32, #tpu.memory_space<vmem>>, %arg11: memref<1000x128xf32, #tpu.memory_space<vmem_shared>>, %arg12: memref<!tpu.dma_semaphore, #tpu.memory_space<semaphore_mem>>, %arg13: memref<!tpu.dma_semaphore, #tpu.memory_space<semaphore_mem>>, %arg14: memref<!tpu.dma_semaphore, #tpu.memory_space<semaphore_mem>>, %arg15: memref<!tpu.dma_semaphore, #tpu.memory_space<semaphore_mem>>, %arg16: memref<!tpu.dma_semaphore, #tpu.memory_space<semaphore_mem>>, %arg17: memref<!tpu.dma_semaphore, #tpu.memory_space<semaphore_mem>>, %arg18: memref<!tpu.dma_semaphore, #tpu.memory_space<semaphore_mem>>, %arg19: memref<!tpu.dma_semaphore, #tpu.memory_space<semaphore_mem>>, %arg20: memref<!tpu.dma_semaphore, #tpu.memory_space<semaphore_mem>>, %arg21: memref<!tpu.dma_semaphore, #tpu.memory_space<semaphore_mem>>) attributes {dimension_semantics = [#tpu.dimension_semantics<core_parallel>, #tpu.dimension_semantics<subcore_parallel>], iteration_bounds = array<i64: 2, 16>, scalar_prefetch = 0 : i64, scratch_operands = 17 : i64, tpu.core_type = #tpu.core_type<sc_vector_subcore>, window_params = [{transform_indices = #map}, {transform_indices = #map1}, {transform_indices = #map1}]} {
    %mul3A = arith.constant 2 : i32
    %mul3A_0 = arith.muli %arg1, %mul3A : i32
    %add3A = arith.addi %mul3A_0, %arg0 : i32
    %mul3A_1 = arith.constant 25600 : i32
    %mul3A_2 = arith.muli %add3A, %mul3A_1 : i32
    %eq3A = arith.constant 0 : i32
    %eq3A_3 = arith.cmpi eq, %arg1, %eq3A : i32
    %convert_element_type3A = arith.extui %eq3A_3 : i1 to i32
    %cond3A = arith.constant 0 : i32
    %cond3A_4 = arith.cmpi ne, %convert_element_type3A, %cond3A : i32
    scf.if %cond3A_4 {
      "tpu.region"() ({
        %run_scoped3A = tpu.sem_alloc : memref<!tpu.dma_semaphore, #tpu.memory_space<semaphore_mem>>
        tpu.enqueue_dma source(%arg3 : memref<1000x128xf32, #tpu.memory_space<hbm>>) target(%arg11 : memref<1000x128xf32, #tpu.memory_space<vmem_shared>>) target_semaphore(%run_scoped3A : memref<!tpu.dma_semaphore, #tpu.memory_space<semaphore_mem>>)
        tpu.wait_dma2 semaphore(%run_scoped3A : memref<!tpu.dma_semaphore, #tpu.memory_space<semaphore_mem>>) src(%arg3 : memref<1000x128xf32, #tpu.memory_space<hbm>>) dst(%arg11 : memref<1000x128xf32, #tpu.memory_space<vmem_shared>>)
        tpu.yield
      }) : () -> ()
    } else {
    }
    "tpu.region"() ({
      %run_scoped3A = tpu.sem_alloc : memref<!tpu.dma_semaphore, #tpu.memory_space<semaphore_mem>>
      %dma_start3A_249 = arith.constant 0 : i32
      %dma_start3A_250 = arith.constant 0 : i32
      %dma_start3A_251 = tpu.memref_slice %arg2[%add3A, %dma_start3A_249, %dma_start3A_250] : memref<32x200x128xi32, #tpu.memory_space<hbm>> -> memref<1x200x128xi32, #tpu.memory_space<hbm>>
      %dma_start3A_252 = tpu.memref_squeeze %dma_start3A_251 : memref<1x200x128xi32, #tpu.memory_space<hbm>> -> memref<200x128xi32, #tpu.memory_space<hbm>>
      %dma_start3A_253 = arith.constant 0 : i32
      %dma_start3A_254 = arith.constant 0 : i32
      %dma_start3A_255 = tpu.memref_slice %arg2[%add3A, %dma_start3A_253, %dma_start3A_254] : memref<32x200x128xi32, #tpu.memory_space<hbm>> -> memref<1x200x128xi32, #tpu.memory_space<hbm>>
      %dma_start3A_256 = tpu.memref_squeeze %dma_start3A_255 : memref<1x200x128xi32, #tpu.memory_space<hbm>> -> memref<200x128xi32, #tpu.memory_space<hbm>>
      tpu.enqueue_dma source(%dma_start3A_256 : memref<200x128xi32, #tpu.memory_space<hbm>>) target(%arg5 : memref<200x128xi32, #tpu.memory_space<vmem>>) target_semaphore(%run_scoped3A : memref<!tpu.dma_semaphore, #tpu.memory_space<semaphore_mem>>)
      %dma_wait3A_257 = arith.constant 0 : i32
      %dma_wait3A_258 = arith.constant 0 : i32
      %dma_wait3A_259 = tpu.memref_slice %arg2[%add3A, %dma_wait3A_257, %dma_wait3A_258] : memref<32x200x128xi32, #tpu.memory_space<hbm>> -> memref<1x200x128xi32, #tpu.memory_space<hbm>>
      %dma_wait3A_260 = tpu.memref_squeeze %dma_wait3A_259 : memref<1x200x128xi32, #tpu.memory_space<hbm>> -> memref<200x128xi32, #tpu.memory_space<hbm>>
      %dma_wait3A_261 = arith.constant 0 : i32
      %dma_wait3A_262 = arith.constant 0 : i32
      %dma_wait3A_263 = tpu.memref_slice %arg2[%add3A, %dma_wait3A_261, %dma_wait3A_262] : memref<32x200x128xi32, #tpu.memory_space<hbm>> -> memref<1x200x128xi32, #tpu.memory_space<hbm>>
      %dma_wait3A_264 = tpu.memref_squeeze %dma_wait3A_263 : memref<1x200x128xi32, #tpu.memory_space<hbm>> -> memref<200x128xi32, #tpu.memory_space<hbm>>
      tpu.wait_dma2 semaphore(%run_scoped3A : memref<!tpu.dma_semaphore, #tpu.memory_space<semaphore_mem>>) src(%dma_wait3A_264 : memref<200x128xi32, #tpu.memory_space<hbm>>) dst(%arg5 : memref<200x128xi32, #tpu.memory_space<vmem>>)
      tpu.yield
    }) : () -> ()
    %barrier3A = arith.constant 0 : index
    tpu.barrier barrier_id(%barrier3A)
    %dma_start3A = arith.constant 0 : i32
    %dma_start3A_5 = arith.constant 0 : i32
    %dma_start3A_6 = tpu.memref_slice %arg5[%dma_start3A, %dma_start3A_5] : memref<200x128xi32, #tpu.memory_space<vmem>> -> memref<1x128xi32, #tpu.memory_space<vmem>>
    %dma_start3A_7 = tpu.memref_squeeze %dma_start3A_6 : memref<1x128xi32, #tpu.memory_space<vmem>> -> memref<128xi32, #tpu.memory_space<vmem>>
    %dma_start3A_8 = arith.constant 0 : i32
    %dma_start3A_9 = arith.constant 0 : i32
    %dma_start3A_10 = tpu.memref_slice %arg11[%dma_start3A_8, %dma_start3A_9] : memref<1000x128xf32, #tpu.memory_space<vmem_shared>> -> memref<1000x128xf32, #tpu.memory_space<vmem_shared>>
    tpu.enqueue_indirect_dma source(%dma_start3A_10 : memref<1000x128xf32, #tpu.memory_space<vmem_shared>>) target(%arg6 : memref<128x128xf32, #tpu.memory_space<vmem>>) offsets(%dma_start3A_7 : memref<128xi32, #tpu.memory_space<vmem>>) semaphore(%arg12 : memref<!tpu.dma_semaphore, #tpu.memory_space<semaphore_mem>>)
    %dma_start3A_11 = arith.constant 1 : i32
    %dma_start3A_12 = arith.constant 0 : i32
    %dma_start3A_13 = tpu.memref_slice %arg5[%dma_start3A_11, %dma_start3A_12] : memref<200x128xi32, #tpu.memory_space<vmem>> -> memref<1x128xi32, #tpu.memory_space<vmem>>
    %dma_start3A_14 = tpu.memref_squeeze %dma_start3A_13 : memref<1x128xi32, #tpu.memory_space<vmem>> -> memref<128xi32, #tpu.memory_space<vmem>>
    %dma_start3A_15 = arith.constant 0 : i32
    %dma_start3A_16 = arith.constant 0 : i32
    %dma_start3A_17 = tpu.memref_slice %arg11[%dma_start3A_15, %dma_start3A_16] : memref<1000x128xf32, #tpu.memory_space<vmem_shared>> -> memref<1000x128xf32, #tpu.memory_space<vmem_shared>>
    tpu.enqueue_indirect_dma source(%dma_start3A_17 : memref<1000x128xf32, #tpu.memory_space<vmem_shared>>) target(%arg7 : memref<128x128xf32, #tpu.memory_space<vmem>>) offsets(%dma_start3A_14 : memref<128xi32, #tpu.memory_space<vmem>>) semaphore(%arg13 : memref<!tpu.dma_semaphore, #tpu.memory_space<semaphore_mem>>)
    %dma_start3A_18 = arith.constant 2 : i32
    %dma_start3A_19 = arith.constant 0 : i32
    %dma_start3A_20 = tpu.memref_slice %arg5[%dma_start3A_18, %dma_start3A_19] : memref<200x128xi32, #tpu.memory_space<vmem>> -> memref<1x128xi32, #tpu.memory_space<vmem>>
    %dma_start3A_21 = tpu.memref_squeeze %dma_start3A_20 : memref<1x128xi32, #tpu.memory_space<vmem>> -> memref<128xi32, #tpu.memory_space<vmem>>
    %dma_start3A_22 = arith.constant 0 : i32
    %dma_start3A_23 = arith.constant 0 : i32
    %dma_start3A_24 = tpu.memref_slice %arg11[%dma_start3A_22, %dma_start3A_23] : memref<1000x128xf32, #tpu.memory_space<vmem_shared>> -> memref<1000x128xf32, #tpu.memory_space<vmem_shared>>
    tpu.enqueue_indirect_dma source(%dma_start3A_24 : memref<1000x128xf32, #tpu.memory_space<vmem_shared>>) target(%arg8 : memref<128x128xf32, #tpu.memory_space<vmem>>) offsets(%dma_start3A_21 : memref<128xi32, #tpu.memory_space<vmem>>) semaphore(%arg14 : memref<!tpu.dma_semaphore, #tpu.memory_space<semaphore_mem>>)
    %dma_start3A_25 = arith.constant 3 : i32
    %dma_start3A_26 = arith.constant 0 : i32
    %dma_start3A_27 = tpu.memref_slice %arg5[%dma_start3A_25, %dma_start3A_26] : memref<200x128xi32, #tpu.memory_space<vmem>> -> memref<1x128xi32, #tpu.memory_space<vmem>>
    %dma_start3A_28 = tpu.memref_squeeze %dma_start3A_27 : memref<1x128xi32, #tpu.memory_space<vmem>> -> memref<128xi32, #tpu.memory_space<vmem>>
    %dma_start3A_29 = arith.constant 0 : i32
    %dma_start3A_30 = arith.constant 0 : i32
    %dma_start3A_31 = tpu.memref_slice %arg11[%dma_start3A_29, %dma_start3A_30] : memref<1000x128xf32, #tpu.memory_space<vmem_shared>> -> memref<1000x128xf32, #tpu.memory_space<vmem_shared>>
    tpu.enqueue_indirect_dma source(%dma_start3A_31 : memref<1000x128xf32, #tpu.memory_space<vmem_shared>>) target(%arg9 : memref<128x128xf32, #tpu.memory_space<vmem>>) offsets(%dma_start3A_28 : memref<128xi32, #tpu.memory_space<vmem>>) semaphore(%arg15 : memref<!tpu.dma_semaphore, #tpu.memory_space<semaphore_mem>>)
    %dma_wait3A = arith.constant 0 : i32
    %dma_wait3A_32 = arith.constant 0 : i32
    %dma_wait3A_33 = tpu.memref_slice %arg5[%dma_wait3A, %dma_wait3A_32] : memref<200x128xi32, #tpu.memory_space<vmem>> -> memref<1x128xi32, #tpu.memory_space<vmem>>
    %dma_wait3A_34 = tpu.memref_squeeze %dma_wait3A_33 : memref<1x128xi32, #tpu.memory_space<vmem>> -> memref<128xi32, #tpu.memory_space<vmem>>
    %dma_wait3A_35 = arith.constant 0 : i32
    %dma_wait3A_36 = arith.constant 0 : i32
    %dma_wait3A_37 = tpu.memref_slice %arg11[%dma_wait3A_35, %dma_wait3A_36] : memref<1000x128xf32, #tpu.memory_space<vmem_shared>> -> memref<1000x128xf32, #tpu.memory_space<vmem_shared>>
    tpu.wait_indirect_dma semaphore(%arg12 : memref<!tpu.dma_semaphore, #tpu.memory_space<semaphore_mem>>) src(%dma_wait3A_37 : memref<1000x128xf32, #tpu.memory_space<vmem_shared>>) dst(%arg6 : memref<128x128xf32, #tpu.memory_space<vmem>>)
    %add3A_38 = arith.constant 0 : i32
    %add3A_39 = arith.addi %mul3A_2, %add3A_38 : i32
    %dma_start3A_40 = arith.constant 0 : i32
    %dma_start3A_41 = tpu.memref_slice %arg4[%add3A_39, %dma_start3A_40] : memref<819200x128xf32, #tpu.memory_space<hbm>> -> memref<128x128xf32, #tpu.memory_space<hbm>>
    %dma_start3A_42 = arith.constant 0 : i32
    %dma_start3A_43 = tpu.memref_slice %arg4[%add3A_39, %dma_start3A_42] : memref<819200x128xf32, #tpu.memory_space<hbm>> -> memref<128x128xf32, #tpu.memory_space<hbm>>
    tpu.enqueue_dma source(%arg6 : memref<128x128xf32, #tpu.memory_space<vmem>>) target(%dma_start3A_43 : memref<128x128xf32, #tpu.memory_space<hbm>>) target_semaphore(%arg17 : memref<!tpu.dma_semaphore, #tpu.memory_space<semaphore_mem>>)
    %dma_start3A_44 = arith.constant 4 : i32
    %dma_start3A_45 = arith.constant 0 : i32
    %dma_start3A_46 = tpu.memref_slice %arg5[%dma_start3A_44, %dma_start3A_45] : memref<200x128xi32, #tpu.memory_space<vmem>> -> memref<1x128xi32, #tpu.memory_space<vmem>>
    %dma_start3A_47 = tpu.memref_squeeze %dma_start3A_46 : memref<1x128xi32, #tpu.memory_space<vmem>> -> memref<128xi32, #tpu.memory_space<vmem>>
    %dma_start3A_48 = arith.constant 0 : i32
    %dma_start3A_49 = arith.constant 0 : i32
    %dma_start3A_50 = tpu.memref_slice %arg11[%dma_start3A_48, %dma_start3A_49] : memref<1000x128xf32, #tpu.memory_space<vmem_shared>> -> memref<1000x128xf32, #tpu.memory_space<vmem_shared>>
    tpu.enqueue_indirect_dma source(%dma_start3A_50 : memref<1000x128xf32, #tpu.memory_space<vmem_shared>>) target(%arg10 : memref<128x128xf32, #tpu.memory_space<vmem>>) offsets(%dma_start3A_47 : memref<128xi32, #tpu.memory_space<vmem>>) semaphore(%arg16 : memref<!tpu.dma_semaphore, #tpu.memory_space<semaphore_mem>>)
    %dma_wait3A_51 = arith.constant 0 : i32
    %dma_wait3A_52 = arith.constant 0 : i32
    %dma_wait3A_53 = tpu.memref_slice %arg5[%dma_wait3A_51, %dma_wait3A_52] : memref<200x128xi32, #tpu.memory_space<vmem>> -> memref<1x128xi32, #tpu.memory_space<vmem>>
    %dma_wait3A_54 = tpu.memref_squeeze %dma_wait3A_53 : memref<1x128xi32, #tpu.memory_space<vmem>> -> memref<128xi32, #tpu.memory_space<vmem>>
    %dma_wait3A_55 = arith.constant 0 : i32
    %dma_wait3A_56 = arith.constant 0 : i32
    %dma_wait3A_57 = tpu.memref_slice %arg11[%dma_wait3A_55, %dma_wait3A_56] : memref<1000x128xf32, #tpu.memory_space<vmem_shared>> -> memref<1000x128xf32, #tpu.memory_space<vmem_shared>>
    tpu.wait_indirect_dma semaphore(%arg13 : memref<!tpu.dma_semaphore, #tpu.memory_space<semaphore_mem>>) src(%dma_wait3A_57 : memref<1000x128xf32, #tpu.memory_space<vmem_shared>>) dst(%arg7 : memref<128x128xf32, #tpu.memory_space<vmem>>)
    %add3A_58 = arith.constant 128 : i32
    %add3A_59 = arith.addi %mul3A_2, %add3A_58 : i32
    %dma_start3A_60 = arith.constant 0 : i32
    %dma_start3A_61 = tpu.memref_slice %arg4[%add3A_59, %dma_start3A_60] : memref<819200x128xf32, #tpu.memory_space<hbm>> -> memref<128x128xf32, #tpu.memory_space<hbm>>
    %dma_start3A_62 = arith.constant 0 : i32
    %dma_start3A_63 = tpu.memref_slice %arg4[%add3A_59, %dma_start3A_62] : memref<819200x128xf32, #tpu.memory_space<hbm>> -> memref<128x128xf32, #tpu.memory_space<hbm>>
    tpu.enqueue_dma source(%arg7 : memref<128x128xf32, #tpu.memory_space<vmem>>) target(%dma_start3A_63 : memref<128x128xf32, #tpu.memory_space<hbm>>) target_semaphore(%arg18 : memref<!tpu.dma_semaphore, #tpu.memory_space<semaphore_mem>>)
    %dma_wait3A_64 = arith.constant 0 : i32
    %dma_wait3A_65 = tpu.memref_slice %arg4[%mul3A_2, %dma_wait3A_64] : memref<819200x128xf32, #tpu.memory_space<hbm>> -> memref<128x128xf32, #tpu.memory_space<hbm>>
    %dma_wait3A_66 = arith.constant 0 : i32
    %dma_wait3A_67 = tpu.memref_slice %arg4[%mul3A_2, %dma_wait3A_66] : memref<819200x128xf32, #tpu.memory_space<hbm>> -> memref<128x128xf32, #tpu.memory_space<hbm>>
    tpu.wait_dma2 semaphore(%arg17 : memref<!tpu.dma_semaphore, #tpu.memory_space<semaphore_mem>>) src(%arg6 : memref<128x128xf32, #tpu.memory_space<vmem>>) dst(%dma_wait3A_67 : memref<128x128xf32, #tpu.memory_space<hbm>>)
    %dma_start3A_68 = arith.constant 5 : i32
    %dma_start3A_69 = arith.constant 0 : i32
    %dma_start3A_70 = tpu.memref_slice %arg5[%dma_start3A_68, %dma_start3A_69] : memref<200x128xi32, #tpu.memory_space<vmem>> -> memref<1x128xi32, #tpu.memory_space<vmem>>
    %dma_start3A_71 = tpu.memref_squeeze %dma_start3A_70 : memref<1x128xi32, #tpu.memory_space<vmem>> -> memref<128xi32, #tpu.memory_space<vmem>>
    %dma_start3A_72 = arith.constant 0 : i32
    %dma_start3A_73 = arith.constant 0 : i32
    %dma_start3A_74 = tpu.memref_slice %arg11[%dma_start3A_72, %dma_start3A_73] : memref<1000x128xf32, #tpu.memory_space<vmem_shared>> -> memref<1000x128xf32, #tpu.memory_space<vmem_shared>>
    tpu.enqueue_indirect_dma source(%dma_start3A_74 : memref<1000x128xf32, #tpu.memory_space<vmem_shared>>) target(%arg6 : memref<128x128xf32, #tpu.memory_space<vmem>>) offsets(%dma_start3A_71 : memref<128xi32, #tpu.memory_space<vmem>>) semaphore(%arg12 : memref<!tpu.dma_semaphore, #tpu.memory_space<semaphore_mem>>)
    %dma_wait3A_75 = arith.constant 0 : i32
    %dma_wait3A_76 = arith.constant 0 : i32
    %dma_wait3A_77 = tpu.memref_slice %arg5[%dma_wait3A_75, %dma_wait3A_76] : memref<200x128xi32, #tpu.memory_space<vmem>> -> memref<1x128xi32, #tpu.memory_space<vmem>>
    %dma_wait3A_78 = tpu.memref_squeeze %dma_wait3A_77 : memref<1x128xi32, #tpu.memory_space<vmem>> -> memref<128xi32, #tpu.memory_space<vmem>>
    %dma_wait3A_79 = arith.constant 0 : i32
    %dma_wait3A_80 = arith.constant 0 : i32
    %dma_wait3A_81 = tpu.memref_slice %arg11[%dma_wait3A_79, %dma_wait3A_80] : memref<1000x128xf32, #tpu.memory_space<vmem_shared>> -> memref<1000x128xf32, #tpu.memory_space<vmem_shared>>
    tpu.wait_indirect_dma semaphore(%arg14 : memref<!tpu.dma_semaphore, #tpu.memory_space<semaphore_mem>>) src(%dma_wait3A_81 : memref<1000x128xf32, #tpu.memory_space<vmem_shared>>) dst(%arg8 : memref<128x128xf32, #tpu.memory_space<vmem>>)
    %add3A_82 = arith.constant 256 : i32
    %add3A_83 = arith.addi %mul3A_2, %add3A_82 : i32
    %dma_start3A_84 = arith.constant 0 : i32
    %dma_start3A_85 = tpu.memref_slice %arg4[%add3A_83, %dma_start3A_84] : memref<819200x128xf32, #tpu.memory_space<hbm>> -> memref<128x128xf32, #tpu.memory_space<hbm>>
    %dma_start3A_86 = arith.constant 0 : i32
    %dma_start3A_87 = tpu.memref_slice %arg4[%add3A_83, %dma_start3A_86] : memref<819200x128xf32, #tpu.memory_space<hbm>> -> memref<128x128xf32, #tpu.memory_space<hbm>>
    tpu.enqueue_dma source(%arg8 : memref<128x128xf32, #tpu.memory_space<vmem>>) target(%dma_start3A_87 : memref<128x128xf32, #tpu.memory_space<hbm>>) target_semaphore(%arg19 : memref<!tpu.dma_semaphore, #tpu.memory_space<semaphore_mem>>)
    %dma_wait3A_88 = arith.constant 0 : i32
    %dma_wait3A_89 = tpu.memref_slice %arg4[%mul3A_2, %dma_wait3A_88] : memref<819200x128xf32, #tpu.memory_space<hbm>> -> memref<128x128xf32, #tpu.memory_space<hbm>>
    %dma_wait3A_90 = arith.constant 0 : i32
    %dma_wait3A_91 = tpu.memref_slice %arg4[%mul3A_2, %dma_wait3A_90] : memref<819200x128xf32, #tpu.memory_space<hbm>> -> memref<128x128xf32, #tpu.memory_space<hbm>>
    tpu.wait_dma2 semaphore(%arg18 : memref<!tpu.dma_semaphore, #tpu.memory_space<semaphore_mem>>) src(%arg7 : memref<128x128xf32, #tpu.memory_space<vmem>>) dst(%dma_wait3A_91 : memref<128x128xf32, #tpu.memory_space<hbm>>)
    %dma_start3A_92 = arith.constant 6 : i32
    %dma_start3A_93 = arith.constant 0 : i32
    %dma_start3A_94 = tpu.memref_slice %arg5[%dma_start3A_92, %dma_start3A_93] : memref<200x128xi32, #tpu.memory_space<vmem>> -> memref<1x128xi32, #tpu.memory_space<vmem>>
    %dma_start3A_95 = tpu.memref_squeeze %dma_start3A_94 : memref<1x128xi32, #tpu.memory_space<vmem>> -> memref<128xi32, #tpu.memory_space<vmem>>
    %dma_start3A_96 = arith.constant 0 : i32
    %dma_start3A_97 = arith.constant 0 : i32
    %dma_start3A_98 = tpu.memref_slice %arg11[%dma_start3A_96, %dma_start3A_97] : memref<1000x128xf32, #tpu.memory_space<vmem_shared>> -> memref<1000x128xf32, #tpu.memory_space<vmem_shared>>
    tpu.enqueue_indirect_dma source(%dma_start3A_98 : memref<1000x128xf32, #tpu.memory_space<vmem_shared>>) target(%arg7 : memref<128x128xf32, #tpu.memory_space<vmem>>) offsets(%dma_start3A_95 : memref<128xi32, #tpu.memory_space<vmem>>) semaphore(%arg13 : memref<!tpu.dma_semaphore, #tpu.memory_space<semaphore_mem>>)
    %dma_wait3A_99 = arith.constant 0 : i32
    %dma_wait3A_100 = arith.constant 0 : i32
    %dma_wait3A_101 = tpu.memref_slice %arg5[%dma_wait3A_99, %dma_wait3A_100] : memref<200x128xi32, #tpu.memory_space<vmem>> -> memref<1x128xi32, #tpu.memory_space<vmem>>
    %dma_wait3A_102 = tpu.memref_squeeze %dma_wait3A_101 : memref<1x128xi32, #tpu.memory_space<vmem>> -> memref<128xi32, #tpu.memory_space<vmem>>
    %dma_wait3A_103 = arith.constant 0 : i32
    %dma_wait3A_104 = arith.constant 0 : i32
    %dma_wait3A_105 = tpu.memref_slice %arg11[%dma_wait3A_103, %dma_wait3A_104] : memref<1000x128xf32, #tpu.memory_space<vmem_shared>> -> memref<1000x128xf32, #tpu.memory_space<vmem_shared>>
    tpu.wait_indirect_dma semaphore(%arg15 : memref<!tpu.dma_semaphore, #tpu.memory_space<semaphore_mem>>) src(%dma_wait3A_105 : memref<1000x128xf32, #tpu.memory_space<vmem_shared>>) dst(%arg9 : memref<128x128xf32, #tpu.memory_space<vmem>>)
    %add3A_106 = arith.constant 384 : i32
    %add3A_107 = arith.addi %mul3A_2, %add3A_106 : i32
    %dma_start3A_108 = arith.constant 0 : i32
    %dma_start3A_109 = tpu.memref_slice %arg4[%add3A_107, %dma_start3A_108] : memref<819200x128xf32, #tpu.memory_space<hbm>> -> memref<128x128xf32, #tpu.memory_space<hbm>>
    %dma_start3A_110 = arith.constant 0 : i32
    %dma_start3A_111 = tpu.memref_slice %arg4[%add3A_107, %dma_start3A_110] : memref<819200x128xf32, #tpu.memory_space<hbm>> -> memref<128x128xf32, #tpu.memory_space<hbm>>
    tpu.enqueue_dma source(%arg9 : memref<128x128xf32, #tpu.memory_space<vmem>>) target(%dma_start3A_111 : memref<128x128xf32, #tpu.memory_space<hbm>>) target_semaphore(%arg20 : memref<!tpu.dma_semaphore, #tpu.memory_space<semaphore_mem>>)
    %dma_wait3A_112 = arith.constant 0 : i32
    %dma_wait3A_113 = tpu.memref_slice %arg4[%mul3A_2, %dma_wait3A_112] : memref<819200x128xf32, #tpu.memory_space<hbm>> -> memref<128x128xf32, #tpu.memory_space<hbm>>
    %dma_wait3A_114 = arith.constant 0 : i32
    %dma_wait3A_115 = tpu.memref_slice %arg4[%mul3A_2, %dma_wait3A_114] : memref<819200x128xf32, #tpu.memory_space<hbm>> -> memref<128x128xf32, #tpu.memory_space<hbm>>
    tpu.wait_dma2 semaphore(%arg19 : memref<!tpu.dma_semaphore, #tpu.memory_space<semaphore_mem>>) src(%arg8 : memref<128x128xf32, #tpu.memory_space<vmem>>) dst(%dma_wait3A_115 : memref<128x128xf32, #tpu.memory_space<hbm>>)
    %dma_start3A_116 = arith.constant 7 : i32
    %dma_start3A_117 = arith.constant 0 : i32
    %dma_start3A_118 = tpu.memref_slice %arg5[%dma_start3A_116, %dma_start3A_117] : memref<200x128xi32, #tpu.memory_space<vmem>> -> memref<1x128xi32, #tpu.memory_space<vmem>>
    %dma_start3A_119 = tpu.memref_squeeze %dma_start3A_118 : memref<1x128xi32, #tpu.memory_space<vmem>> -> memref<128xi32, #tpu.memory_space<vmem>>
    %dma_start3A_120 = arith.constant 0 : i32
    %dma_start3A_121 = arith.constant 0 : i32
    %dma_start3A_122 = tpu.memref_slice %arg11[%dma_start3A_120, %dma_start3A_121] : memref<1000x128xf32, #tpu.memory_space<vmem_shared>> -> memref<1000x128xf32, #tpu.memory_space<vmem_shared>>
    tpu.enqueue_indirect_dma source(%dma_start3A_122 : memref<1000x128xf32, #tpu.memory_space<vmem_shared>>) target(%arg8 : memref<128x128xf32, #tpu.memory_space<vmem>>) offsets(%dma_start3A_119 : memref<128xi32, #tpu.memory_space<vmem>>) semaphore(%arg14 : memref<!tpu.dma_semaphore, #tpu.memory_space<semaphore_mem>>)
    %dma_wait3A_123 = arith.constant 0 : i32
    %dma_wait3A_124 = arith.constant 0 : i32
    %dma_wait3A_125 = tpu.memref_slice %arg5[%dma_wait3A_123, %dma_wait3A_124] : memref<200x128xi32, #tpu.memory_space<vmem>> -> memref<1x128xi32, #tpu.memory_space<vmem>>
    %dma_wait3A_126 = tpu.memref_squeeze %dma_wait3A_125 : memref<1x128xi32, #tpu.memory_space<vmem>> -> memref<128xi32, #tpu.memory_space<vmem>>
    %dma_wait3A_127 = arith.constant 0 : i32
    %dma_wait3A_128 = arith.constant 0 : i32
    %dma_wait3A_129 = tpu.memref_slice %arg11[%dma_wait3A_127, %dma_wait3A_128] : memref<1000x128xf32, #tpu.memory_space<vmem_shared>> -> memref<1000x128xf32, #tpu.memory_space<vmem_shared>>
    tpu.wait_indirect_dma semaphore(%arg16 : memref<!tpu.dma_semaphore, #tpu.memory_space<semaphore_mem>>) src(%dma_wait3A_129 : memref<1000x128xf32, #tpu.memory_space<vmem_shared>>) dst(%arg10 : memref<128x128xf32, #tpu.memory_space<vmem>>)
    %add3A_130 = arith.constant 512 : i32
    %add3A_131 = arith.addi %mul3A_2, %add3A_130 : i32
    %dma_start3A_132 = arith.constant 0 : i32
    %dma_start3A_133 = tpu.memref_slice %arg4[%add3A_131, %dma_start3A_132] : memref<819200x128xf32, #tpu.memory_space<hbm>> -> memref<128x128xf32, #tpu.memory_space<hbm>>
    %dma_start3A_134 = arith.constant 0 : i32
    %dma_start3A_135 = tpu.memref_slice %arg4[%add3A_131, %dma_start3A_134] : memref<819200x128xf32, #tpu.memory_space<hbm>> -> memref<128x128xf32, #tpu.memory_space<hbm>>
    tpu.enqueue_dma source(%arg10 : memref<128x128xf32, #tpu.memory_space<vmem>>) target(%dma_start3A_135 : memref<128x128xf32, #tpu.memory_space<hbm>>) target_semaphore(%arg21 : memref<!tpu.dma_semaphore, #tpu.memory_space<semaphore_mem>>)
    %scan3A = arith.constant 0 : i32
    %scan3A_136 = arith.constant 1 : i32
    %scan3A_137 = arith.constant 38 : i32
    %scan3A_138 = arith.addi %scan3A_136, %scan3A_137 : i32
    %scan3A_139 = arith.constant 1 : i32
    %scan3A_140 = scf.for %scan3A_249 = %scan3A_136 to %scan3A_138 step %scan3A_139 iter_args(%scan3A_250 = %scan3A) -> (i32)  : i32 {
      %mul3A_251 = arith.constant 5 : i32
      %mul3A_252 = arith.muli %scan3A_249, %mul3A_251 : i32
      %add3A_253 = arith.constant 0 : i32
      %add3A_254 = arith.addi %mul3A_252, %add3A_253 : i32
      %dma_wait3A_255 = arith.constant 0 : i32
      %dma_wait3A_256 = tpu.memref_slice %arg4[%mul3A_2, %dma_wait3A_255] : memref<819200x128xf32, #tpu.memory_space<hbm>> -> memref<128x128xf32, #tpu.memory_space<hbm>>
      %dma_wait3A_257 = arith.constant 0 : i32
      %dma_wait3A_258 = tpu.memref_slice %arg4[%mul3A_2, %dma_wait3A_257] : memref<819200x128xf32, #tpu.memory_space<hbm>> -> memref<128x128xf32, #tpu.memory_space<hbm>>
      tpu.wait_dma2 semaphore(%arg20 : memref<!tpu.dma_semaphore, #tpu.memory_space<semaphore_mem>>) src(%arg9 : memref<128x128xf32, #tpu.memory_space<vmem>>) dst(%dma_wait3A_258 : memref<128x128xf32, #tpu.memory_space<hbm>>)
      %add3A_259 = arith.constant 3 : i32
      %add3A_260 = arith.addi %add3A_254, %add3A_259 : i32
      %dma_start3A_261 = arith.constant 0 : i32
      %dma_start3A_262 = tpu.memref_slice %arg5[%add3A_260, %dma_start3A_261] : memref<200x128xi32, #tpu.memory_space<vmem>> -> memref<1x128xi32, #tpu.memory_space<vmem>>
      %dma_start3A_263 = tpu.memref_squeeze %dma_start3A_262 : memref<1x128xi32, #tpu.memory_space<vmem>> -> memref<128xi32, #tpu.memory_space<vmem>>
      %dma_start3A_264 = arith.constant 0 : i32
      %dma_start3A_265 = arith.constant 0 : i32
      %dma_start3A_266 = tpu.memref_slice %arg11[%dma_start3A_264, %dma_start3A_265] : memref<1000x128xf32, #tpu.memory_space<vmem_shared>> -> memref<1000x128xf32, #tpu.memory_space<vmem_shared>>
      tpu.enqueue_indirect_dma source(%dma_start3A_266 : memref<1000x128xf32, #tpu.memory_space<vmem_shared>>) target(%arg9 : memref<128x128xf32, #tpu.memory_space<vmem>>) offsets(%dma_start3A_263 : memref<128xi32, #tpu.memory_space<vmem>>) semaphore(%arg15 : memref<!tpu.dma_semaphore, #tpu.memory_space<semaphore_mem>>)
      %dma_wait3A_267 = arith.constant 0 : i32
      %dma_wait3A_268 = arith.constant 0 : i32
      %dma_wait3A_269 = tpu.memref_slice %arg5[%dma_wait3A_267, %dma_wait3A_268] : memref<200x128xi32, #tpu.memory_space<vmem>> -> memref<1x128xi32, #tpu.memory_space<vmem>>
      %dma_wait3A_270 = tpu.memref_squeeze %dma_wait3A_269 : memref<1x128xi32, #tpu.memory_space<vmem>> -> memref<128xi32, #tpu.memory_space<vmem>>
      %dma_wait3A_271 = arith.constant 0 : i32
      %dma_wait3A_272 = arith.constant 0 : i32
      %dma_wait3A_273 = tpu.memref_slice %arg11[%dma_wait3A_271, %dma_wait3A_272] : memref<1000x128xf32, #tpu.memory_space<vmem_shared>> -> memref<1000x128xf32, #tpu.memory_space<vmem_shared>>
      tpu.wait_indirect_dma semaphore(%arg12 : memref<!tpu.dma_semaphore, #tpu.memory_space<semaphore_mem>>) src(%dma_wait3A_273 : memref<1000x128xf32, #tpu.memory_space<vmem_shared>>) dst(%arg6 : memref<128x128xf32, #tpu.memory_space<vmem>>)
      %mul3A_274 = arith.constant 128 : i32
      %mul3A_275 = arith.muli %add3A_254, %mul3A_274 : i32
      %add3A_276 = arith.addi %mul3A_2, %mul3A_275 : i32
      %dma_start3A_277 = arith.constant 0 : i32
      %dma_start3A_278 = tpu.memref_slice %arg4[%add3A_276, %dma_start3A_277] : memref<819200x128xf32, #tpu.memory_space<hbm>> -> memref<128x128xf32, #tpu.memory_space<hbm>>
      %dma_start3A_279 = arith.constant 0 : i32
      %dma_start3A_280 = tpu.memref_slice %arg4[%add3A_276, %dma_start3A_279] : memref<819200x128xf32, #tpu.memory_space<hbm>> -> memref<128x128xf32, #tpu.memory_space<hbm>>
      tpu.enqueue_dma source(%arg6 : memref<128x128xf32, #tpu.memory_space<vmem>>) target(%dma_start3A_280 : memref<128x128xf32, #tpu.memory_space<hbm>>) target_semaphore(%arg17 : memref<!tpu.dma_semaphore, #tpu.memory_space<semaphore_mem>>)
      %mul3A_281 = arith.constant 5 : i32
      %mul3A_282 = arith.muli %scan3A_249, %mul3A_281 : i32
      %add3A_283 = arith.constant 1 : i32
      %add3A_284 = arith.addi %mul3A_282, %add3A_283 : i32
      %dma_wait3A_285 = arith.constant 0 : i32
      %dma_wait3A_286 = tpu.memref_slice %arg4[%mul3A_2, %dma_wait3A_285] : memref<819200x128xf32, #tpu.memory_space<hbm>> -> memref<128x128xf32, #tpu.memory_space<hbm>>
      %dma_wait3A_287 = arith.constant 0 : i32
      %dma_wait3A_288 = tpu.memref_slice %arg4[%mul3A_2, %dma_wait3A_287] : memref<819200x128xf32, #tpu.memory_space<hbm>> -> memref<128x128xf32, #tpu.memory_space<hbm>>
      tpu.wait_dma2 semaphore(%arg21 : memref<!tpu.dma_semaphore, #tpu.memory_space<semaphore_mem>>) src(%arg10 : memref<128x128xf32, #tpu.memory_space<vmem>>) dst(%dma_wait3A_288 : memref<128x128xf32, #tpu.memory_space<hbm>>)
      %add3A_289 = arith.constant 3 : i32
      %add3A_290 = arith.addi %add3A_284, %add3A_289 : i32
      %dma_start3A_291 = arith.constant 0 : i32
      %dma_start3A_292 = tpu.memref_slice %arg5[%add3A_290, %dma_start3A_291] : memref<200x128xi32, #tpu.memory_space<vmem>> -> memref<1x128xi32, #tpu.memory_space<vmem>>
      %dma_start3A_293 = tpu.memref_squeeze %dma_start3A_292 : memref<1x128xi32, #tpu.memory_space<vmem>> -> memref<128xi32, #tpu.memory_space<vmem>>
      %dma_start3A_294 = arith.constant 0 : i32
      %dma_start3A_295 = arith.constant 0 : i32
      %dma_start3A_296 = tpu.memref_slice %arg11[%dma_start3A_294, %dma_start3A_295] : memref<1000x128xf32, #tpu.memory_space<vmem_shared>> -> memref<1000x128xf32, #tpu.memory_space<vmem_shared>>
      tpu.enqueue_indirect_dma source(%dma_start3A_296 : memref<1000x128xf32, #tpu.memory_space<vmem_shared>>) target(%arg10 : memref<128x128xf32, #tpu.memory_space<vmem>>) offsets(%dma_start3A_293 : memref<128xi32, #tpu.memory_space<vmem>>) semaphore(%arg16 : memref<!tpu.dma_semaphore, #tpu.memory_space<semaphore_mem>>)
      %dma_wait3A_297 = arith.constant 0 : i32
      %dma_wait3A_298 = arith.constant 0 : i32
      %dma_wait3A_299 = tpu.memref_slice %arg5[%dma_wait3A_297, %dma_wait3A_298] : memref<200x128xi32, #tpu.memory_space<vmem>> -> memref<1x128xi32, #tpu.memory_space<vmem>>
      %dma_wait3A_300 = tpu.memref_squeeze %dma_wait3A_299 : memref<1x128xi32, #tpu.memory_space<vmem>> -> memref<128xi32, #tpu.memory_space<vmem>>
      %dma_wait3A_301 = arith.constant 0 : i32
      %dma_wait3A_302 = arith.constant 0 : i32
      %dma_wait3A_303 = tpu.memref_slice %arg11[%dma_wait3A_301, %dma_wait3A_302] : memref<1000x128xf32, #tpu.memory_space<vmem_shared>> -> memref<1000x128xf32, #tpu.memory_space<vmem_shared>>
      tpu.wait_indirect_dma semaphore(%arg13 : memref<!tpu.dma_semaphore, #tpu.memory_space<semaphore_mem>>) src(%dma_wait3A_303 : memref<1000x128xf32, #tpu.memory_space<vmem_shared>>) dst(%arg7 : memref<128x128xf32, #tpu.memory_space<vmem>>)
      %mul3A_304 = arith.constant 128 : i32
      %mul3A_305 = arith.muli %add3A_284, %mul3A_304 : i32
      %add3A_306 = arith.addi %mul3A_2, %mul3A_305 : i32
      %dma_start3A_307 = arith.constant 0 : i32
      %dma_start3A_308 = tpu.memref_slice %arg4[%add3A_306, %dma_start3A_307] : memref<819200x128xf32, #tpu.memory_space<hbm>> -> memref<128x128xf32, #tpu.memory_space<hbm>>
      %dma_start3A_309 = arith.constant 0 : i32
      %dma_start3A_310 = tpu.memref_slice %arg4[%add3A_306, %dma_start3A_309] : memref<819200x128xf32, #tpu.memory_space<hbm>> -> memref<128x128xf32, #tpu.memory_space<hbm>>
      tpu.enqueue_dma source(%arg7 : memref<128x128xf32, #tpu.memory_space<vmem>>) target(%dma_start3A_310 : memref<128x128xf32, #tpu.memory_space<hbm>>) target_semaphore(%arg18 : memref<!tpu.dma_semaphore, #tpu.memory_space<semaphore_mem>>)
      %mul3A_311 = arith.constant 5 : i32
      %mul3A_312 = arith.muli %scan3A_249, %mul3A_311 : i32
      %add3A_313 = arith.constant 2 : i32
      %add3A_314 = arith.addi %mul3A_312, %add3A_313 : i32
      %dma_wait3A_315 = arith.constant 0 : i32
      %dma_wait3A_316 = tpu.memref_slice %arg4[%mul3A_2, %dma_wait3A_315] : memref<819200x128xf32, #tpu.memory_space<hbm>> -> memref<128x128xf32, #tpu.memory_space<hbm>>
      %dma_wait3A_317 = arith.constant 0 : i32
      %dma_wait3A_318 = tpu.memref_slice %arg4[%mul3A_2, %dma_wait3A_317] : memref<819200x128xf32, #tpu.memory_space<hbm>> -> memref<128x128xf32, #tpu.memory_space<hbm>>
      tpu.wait_dma2 semaphore(%arg17 : memref<!tpu.dma_semaphore, #tpu.memory_space<semaphore_mem>>) src(%arg6 : memref<128x128xf32, #tpu.memory_space<vmem>>) dst(%dma_wait3A_318 : memref<128x128xf32, #tpu.memory_space<hbm>>)
      %add3A_319 = arith.constant 3 : i32
      %add3A_320 = arith.addi %add3A_314, %add3A_319 : i32
      %dma_start3A_321 = arith.constant 0 : i32
      %dma_start3A_322 = tpu.memref_slice %arg5[%add3A_320, %dma_start3A_321] : memref<200x128xi32, #tpu.memory_space<vmem>> -> memref<1x128xi32, #tpu.memory_space<vmem>>
      %dma_start3A_323 = tpu.memref_squeeze %dma_start3A_322 : memref<1x128xi32, #tpu.memory_space<vmem>> -> memref<128xi32, #tpu.memory_space<vmem>>
      %dma_start3A_324 = arith.constant 0 : i32
      %dma_start3A_325 = arith.constant 0 : i32
      %dma_start3A_326 = tpu.memref_slice %arg11[%dma_start3A_324, %dma_start3A_325] : memref<1000x128xf32, #tpu.memory_space<vmem_shared>> -> memref<1000x128xf32, #tpu.memory_space<vmem_shared>>
      tpu.enqueue_indirect_dma source(%dma_start3A_326 : memref<1000x128xf32, #tpu.memory_space<vmem_shared>>) target(%arg6 : memref<128x128xf32, #tpu.memory_space<vmem>>) offsets(%dma_start3A_323 : memref<128xi32, #tpu.memory_space<vmem>>) semaphore(%arg12 : memref<!tpu.dma_semaphore, #tpu.memory_space<semaphore_mem>>)
      %dma_wait3A_327 = arith.constant 0 : i32
      %dma_wait3A_328 = arith.constant 0 : i32
      %dma_wait3A_329 = tpu.memref_slice %arg5[%dma_wait3A_327, %dma_wait3A_328] : memref<200x128xi32, #tpu.memory_space<vmem>> -> memref<1x128xi32, #tpu.memory_space<vmem>>
      %dma_wait3A_330 = tpu.memref_squeeze %dma_wait3A_329 : memref<1x128xi32, #tpu.memory_space<vmem>> -> memref<128xi32, #tpu.memory_space<vmem>>
      %dma_wait3A_331 = arith.constant 0 : i32
      %dma_wait3A_332 = arith.constant 0 : i32
      %dma_wait3A_333 = tpu.memref_slice %arg11[%dma_wait3A_331, %dma_wait3A_332] : memref<1000x128xf32, #tpu.memory_space<vmem_shared>> -> memref<1000x128xf32, #tpu.memory_space<vmem_shared>>
      tpu.wait_indirect_dma semaphore(%arg14 : memref<!tpu.dma_semaphore, #tpu.memory_space<semaphore_mem>>) src(%dma_wait3A_333 : memref<1000x128xf32, #tpu.memory_space<vmem_shared>>) dst(%arg8 : memref<128x128xf32, #tpu.memory_space<vmem>>)
      %mul3A_334 = arith.constant 128 : i32
      %mul3A_335 = arith.muli %add3A_314, %mul3A_334 : i32
      %add3A_336 = arith.addi %mul3A_2, %mul3A_335 : i32
      %dma_start3A_337 = arith.constant 0 : i32
      %dma_start3A_338 = tpu.memref_slice %arg4[%add3A_336, %dma_start3A_337] : memref<819200x128xf32, #tpu.memory_space<hbm>> -> memref<128x128xf32, #tpu.memory_space<hbm>>
      %dma_start3A_339 = arith.constant 0 : i32
      %dma_start3A_340 = tpu.memref_slice %arg4[%add3A_336, %dma_start3A_339] : memref<819200x128xf32, #tpu.memory_space<hbm>> -> memref<128x128xf32, #tpu.memory_space<hbm>>
      tpu.enqueue_dma source(%arg8 : memref<128x128xf32, #tpu.memory_space<vmem>>) target(%dma_start3A_340 : memref<128x128xf32, #tpu.memory_space<hbm>>) target_semaphore(%arg19 : memref<!tpu.dma_semaphore, #tpu.memory_space<semaphore_mem>>)
      %mul3A_341 = arith.constant 5 : i32
      %mul3A_342 = arith.muli %scan3A_249, %mul3A_341 : i32
      %add3A_343 = arith.constant 3 : i32
      %add3A_344 = arith.addi %mul3A_342, %add3A_343 : i32
      %dma_wait3A_345 = arith.constant 0 : i32
      %dma_wait3A_346 = tpu.memref_slice %arg4[%mul3A_2, %dma_wait3A_345] : memref<819200x128xf32, #tpu.memory_space<hbm>> -> memref<128x128xf32, #tpu.memory_space<hbm>>
      %dma_wait3A_347 = arith.constant 0 : i32
      %dma_wait3A_348 = tpu.memref_slice %arg4[%mul3A_2, %dma_wait3A_347] : memref<819200x128xf32, #tpu.memory_space<hbm>> -> memref<128x128xf32, #tpu.memory_space<hbm>>
      tpu.wait_dma2 semaphore(%arg18 : memref<!tpu.dma_semaphore, #tpu.memory_space<semaphore_mem>>) src(%arg7 : memref<128x128xf32, #tpu.memory_space<vmem>>) dst(%dma_wait3A_348 : memref<128x128xf32, #tpu.memory_space<hbm>>)
      %add3A_349 = arith.constant 3 : i32
      %add3A_350 = arith.addi %add3A_344, %add3A_349 : i32
      %dma_start3A_351 = arith.constant 0 : i32
      %dma_start3A_352 = tpu.memref_slice %arg5[%add3A_350, %dma_start3A_351] : memref<200x128xi32, #tpu.memory_space<vmem>> -> memref<1x128xi32, #tpu.memory_space<vmem>>
      %dma_start3A_353 = tpu.memref_squeeze %dma_start3A_352 : memref<1x128xi32, #tpu.memory_space<vmem>> -> memref<128xi32, #tpu.memory_space<vmem>>
      %dma_start3A_354 = arith.constant 0 : i32
      %dma_start3A_355 = arith.constant 0 : i32
      %dma_start3A_356 = tpu.memref_slice %arg11[%dma_start3A_354, %dma_start3A_355] : memref<1000x128xf32, #tpu.memory_space<vmem_shared>> -> memref<1000x128xf32, #tpu.memory_space<vmem_shared>>
      tpu.enqueue_indirect_dma source(%dma_start3A_356 : memref<1000x128xf32, #tpu.memory_space<vmem_shared>>) target(%arg7 : memref<128x128xf32, #tpu.memory_space<vmem>>) offsets(%dma_start3A_353 : memref<128xi32, #tpu.memory_space<vmem>>) semaphore(%arg13 : memref<!tpu.dma_semaphore, #tpu.memory_space<semaphore_mem>>)
      %dma_wait3A_357 = arith.constant 0 : i32
      %dma_wait3A_358 = arith.constant 0 : i32
      %dma_wait3A_359 = tpu.memref_slice %arg5[%dma_wait3A_357, %dma_wait3A_358] : memref<200x128xi32, #tpu.memory_space<vmem>> -> memref<1x128xi32, #tpu.memory_space<vmem>>
      %dma_wait3A_360 = tpu.memref_squeeze %dma_wait3A_359 : memref<1x128xi32, #tpu.memory_space<vmem>> -> memref<128xi32, #tpu.memory_space<vmem>>
      %dma_wait3A_361 = arith.constant 0 : i32
      %dma_wait3A_362 = arith.constant 0 : i32
      %dma_wait3A_363 = tpu.memref_slice %arg11[%dma_wait3A_361, %dma_wait3A_362] : memref<1000x128xf32, #tpu.memory_space<vmem_shared>> -> memref<1000x128xf32, #tpu.memory_space<vmem_shared>>
      tpu.wait_indirect_dma semaphore(%arg15 : memref<!tpu.dma_semaphore, #tpu.memory_space<semaphore_mem>>) src(%dma_wait3A_363 : memref<1000x128xf32, #tpu.memory_space<vmem_shared>>) dst(%arg9 : memref<128x128xf32, #tpu.memory_space<vmem>>)
      %mul3A_364 = arith.constant 128 : i32
      %mul3A_365 = arith.muli %add3A_344, %mul3A_364 : i32
      %add3A_366 = arith.addi %mul3A_2, %mul3A_365 : i32
      %dma_start3A_367 = arith.constant 0 : i32
      %dma_start3A_368 = tpu.memref_slice %arg4[%add3A_366, %dma_start3A_367] : memref<819200x128xf32, #tpu.memory_space<hbm>> -> memref<128x128xf32, #tpu.memory_space<hbm>>
      %dma_start3A_369 = arith.constant 0 : i32
      %dma_start3A_370 = tpu.memref_slice %arg4[%add3A_366, %dma_start3A_369] : memref<819200x128xf32, #tpu.memory_space<hbm>> -> memref<128x128xf32, #tpu.memory_space<hbm>>
      tpu.enqueue_dma source(%arg9 : memref<128x128xf32, #tpu.memory_space<vmem>>) target(%dma_start3A_370 : memref<128x128xf32, #tpu.memory_space<hbm>>) target_semaphore(%arg20 : memref<!tpu.dma_semaphore, #tpu.memory_space<semaphore_mem>>)
      %mul3A_371 = arith.constant 5 : i32
      %mul3A_372 = arith.muli %scan3A_249, %mul3A_371 : i32
      %add3A_373 = arith.constant 4 : i32
      %add3A_374 = arith.addi %mul3A_372, %add3A_373 : i32
      %dma_wait3A_375 = arith.constant 0 : i32
      %dma_wait3A_376 = tpu.memref_slice %arg4[%mul3A_2, %dma_wait3A_375] : memref<819200x128xf32, #tpu.memory_space<hbm>> -> memref<128x128xf32, #tpu.memory_space<hbm>>
      %dma_wait3A_377 = arith.constant 0 : i32
      %dma_wait3A_378 = tpu.memref_slice %arg4[%mul3A_2, %dma_wait3A_377] : memref<819200x128xf32, #tpu.memory_space<hbm>> -> memref<128x128xf32, #tpu.memory_space<hbm>>
      tpu.wait_dma2 semaphore(%arg19 : memref<!tpu.dma_semaphore, #tpu.memory_space<semaphore_mem>>) src(%arg8 : memref<128x128xf32, #tpu.memory_space<vmem>>) dst(%dma_wait3A_378 : memref<128x128xf32, #tpu.memory_space<hbm>>)
      %add3A_379 = arith.constant 3 : i32
      %add3A_380 = arith.addi %add3A_374, %add3A_379 : i32
      %dma_start3A_381 = arith.constant 0 : i32
      %dma_start3A_382 = tpu.memref_slice %arg5[%add3A_380, %dma_start3A_381] : memref<200x128xi32, #tpu.memory_space<vmem>> -> memref<1x128xi32, #tpu.memory_space<vmem>>
      %dma_start3A_383 = tpu.memref_squeeze %dma_start3A_382 : memref<1x128xi32, #tpu.memory_space<vmem>> -> memref<128xi32, #tpu.memory_space<vmem>>
      %dma_start3A_384 = arith.constant 0 : i32
      %dma_start3A_385 = arith.constant 0 : i32
      %dma_start3A_386 = tpu.memref_slice %arg11[%dma_start3A_384, %dma_start3A_385] : memref<1000x128xf32, #tpu.memory_space<vmem_shared>> -> memref<1000x128xf32, #tpu.memory_space<vmem_shared>>
      tpu.enqueue_indirect_dma source(%dma_start3A_386 : memref<1000x128xf32, #tpu.memory_space<vmem_shared>>) target(%arg8 : memref<128x128xf32, #tpu.memory_space<vmem>>) offsets(%dma_start3A_383 : memref<128xi32, #tpu.memory_space<vmem>>) semaphore(%arg14 : memref<!tpu.dma_semaphore, #tpu.memory_space<semaphore_mem>>)
      %dma_wait3A_387 = arith.constant 0 : i32
      %dma_wait3A_388 = arith.constant 0 : i32
      %dma_wait3A_389 = tpu.memref_slice %arg5[%dma_wait3A_387, %dma_wait3A_388] : memref<200x128xi32, #tpu.memory_space<vmem>> -> memref<1x128xi32, #tpu.memory_space<vmem>>
      %dma_wait3A_390 = tpu.memref_squeeze %dma_wait3A_389 : memref<1x128xi32, #tpu.memory_space<vmem>> -> memref<128xi32, #tpu.memory_space<vmem>>
      %dma_wait3A_391 = arith.constant 0 : i32
      %dma_wait3A_392 = arith.constant 0 : i32
      %dma_wait3A_393 = tpu.memref_slice %arg11[%dma_wait3A_391, %dma_wait3A_392] : memref<1000x128xf32, #tpu.memory_space<vmem_shared>> -> memref<1000x128xf32, #tpu.memory_space<vmem_shared>>
      tpu.wait_indirect_dma semaphore(%arg16 : memref<!tpu.dma_semaphore, #tpu.memory_space<semaphore_mem>>) src(%dma_wait3A_393 : memref<1000x128xf32, #tpu.memory_space<vmem_shared>>) dst(%arg10 : memref<128x128xf32, #tpu.memory_space<vmem>>)
      %mul3A_394 = arith.constant 128 : i32
      %mul3A_395 = arith.muli %add3A_374, %mul3A_394 : i32
      %add3A_396 = arith.addi %mul3A_2, %mul3A_395 : i32
      %dma_start3A_397 = arith.constant 0 : i32
      %dma_start3A_398 = tpu.memref_slice %arg4[%add3A_396, %dma_start3A_397] : memref<819200x128xf32, #tpu.memory_space<hbm>> -> memref<128x128xf32, #tpu.memory_space<hbm>>
      %dma_start3A_399 = arith.constant 0 : i32
      %dma_start3A_400 = tpu.memref_slice %arg4[%add3A_396, %dma_start3A_399] : memref<819200x128xf32, #tpu.memory_space<hbm>> -> memref<128x128xf32, #tpu.memory_space<hbm>>
      tpu.enqueue_dma source(%arg10 : memref<128x128xf32, #tpu.memory_space<vmem>>) target(%dma_start3A_400 : memref<128x128xf32, #tpu.memory_space<hbm>>) target_semaphore(%arg21 : memref<!tpu.dma_semaphore, #tpu.memory_space<semaphore_mem>>)
      %scan3A_401 = arith.constant 0 : i32
      scf.yield %scan3A_401 : i32
    }
    %scan3A_141 = arith.constant 38 : i32
    %dma_wait3A_142 = arith.constant 0 : i32
    %dma_wait3A_143 = tpu.memref_slice %arg4[%mul3A_2, %dma_wait3A_142] : memref<819200x128xf32, #tpu.memory_space<hbm>> -> memref<128x128xf32, #tpu.memory_space<hbm>>
    %dma_wait3A_144 = arith.constant 0 : i32
    %dma_wait3A_145 = tpu.memref_slice %arg4[%mul3A_2, %dma_wait3A_144] : memref<819200x128xf32, #tpu.memory_space<hbm>> -> memref<128x128xf32, #tpu.memory_space<hbm>>
    tpu.wait_dma2 semaphore(%arg20 : memref<!tpu.dma_semaphore, #tpu.memory_space<semaphore_mem>>) src(%arg9 : memref<128x128xf32, #tpu.memory_space<vmem>>) dst(%dma_wait3A_145 : memref<128x128xf32, #tpu.memory_space<hbm>>)
    %dma_start3A_146 = arith.constant 198 : i32
    %dma_start3A_147 = arith.constant 0 : i32
    %dma_start3A_148 = tpu.memref_slice %arg5[%dma_start3A_146, %dma_start3A_147] : memref<200x128xi32, #tpu.memory_space<vmem>> -> memref<1x128xi32, #tpu.memory_space<vmem>>
    %dma_start3A_149 = tpu.memref_squeeze %dma_start3A_148 : memref<1x128xi32, #tpu.memory_space<vmem>> -> memref<128xi32, #tpu.memory_space<vmem>>
    %dma_start3A_150 = arith.constant 0 : i32
    %dma_start3A_151 = arith.constant 0 : i32
    %dma_start3A_152 = tpu.memref_slice %arg11[%dma_start3A_150, %dma_start3A_151] : memref<1000x128xf32, #tpu.memory_space<vmem_shared>> -> memref<1000x128xf32, #tpu.memory_space<vmem_shared>>
    tpu.enqueue_indirect_dma source(%dma_start3A_152 : memref<1000x128xf32, #tpu.memory_space<vmem_shared>>) target(%arg9 : memref<128x128xf32, #tpu.memory_space<vmem>>) offsets(%dma_start3A_149 : memref<128xi32, #tpu.memory_space<vmem>>) semaphore(%arg15 : memref<!tpu.dma_semaphore, #tpu.memory_space<semaphore_mem>>)
    %dma_wait3A_153 = arith.constant 0 : i32
    %dma_wait3A_154 = arith.constant 0 : i32
    %dma_wait3A_155 = tpu.memref_slice %arg5[%dma_wait3A_153, %dma_wait3A_154] : memref<200x128xi32, #tpu.memory_space<vmem>> -> memref<1x128xi32, #tpu.memory_space<vmem>>
    %dma_wait3A_156 = tpu.memref_squeeze %dma_wait3A_155 : memref<1x128xi32, #tpu.memory_space<vmem>> -> memref<128xi32, #tpu.memory_space<vmem>>
    %dma_wait3A_157 = arith.constant 0 : i32
    %dma_wait3A_158 = arith.constant 0 : i32
    %dma_wait3A_159 = tpu.memref_slice %arg11[%dma_wait3A_157, %dma_wait3A_158] : memref<1000x128xf32, #tpu.memory_space<vmem_shared>> -> memref<1000x128xf32, #tpu.memory_space<vmem_shared>>
    tpu.wait_indirect_dma semaphore(%arg12 : memref<!tpu.dma_semaphore, #tpu.memory_space<semaphore_mem>>) src(%dma_wait3A_159 : memref<1000x128xf32, #tpu.memory_space<vmem_shared>>) dst(%arg6 : memref<128x128xf32, #tpu.memory_space<vmem>>)
    %add3A_160 = arith.constant 24960 : i32
    %add3A_161 = arith.addi %mul3A_2, %add3A_160 : i32
    %dma_start3A_162 = arith.constant 0 : i32
    %dma_start3A_163 = tpu.memref_slice %arg4[%add3A_161, %dma_start3A_162] : memref<819200x128xf32, #tpu.memory_space<hbm>> -> memref<128x128xf32, #tpu.memory_space<hbm>>
    %dma_start3A_164 = arith.constant 0 : i32
    %dma_start3A_165 = tpu.memref_slice %arg4[%add3A_161, %dma_start3A_164] : memref<819200x128xf32, #tpu.memory_space<hbm>> -> memref<128x128xf32, #tpu.memory_space<hbm>>
    tpu.enqueue_dma source(%arg6 : memref<128x128xf32, #tpu.memory_space<vmem>>) target(%dma_start3A_165 : memref<128x128xf32, #tpu.memory_space<hbm>>) target_semaphore(%arg17 : memref<!tpu.dma_semaphore, #tpu.memory_space<semaphore_mem>>)
    %dma_wait3A_166 = arith.constant 0 : i32
    %dma_wait3A_167 = tpu.memref_slice %arg4[%mul3A_2, %dma_wait3A_166] : memref<819200x128xf32, #tpu.memory_space<hbm>> -> memref<128x128xf32, #tpu.memory_space<hbm>>
    %dma_wait3A_168 = arith.constant 0 : i32
    %dma_wait3A_169 = tpu.memref_slice %arg4[%mul3A_2, %dma_wait3A_168] : memref<819200x128xf32, #tpu.memory_space<hbm>> -> memref<128x128xf32, #tpu.memory_space<hbm>>
    tpu.wait_dma2 semaphore(%arg21 : memref<!tpu.dma_semaphore, #tpu.memory_space<semaphore_mem>>) src(%arg10 : memref<128x128xf32, #tpu.memory_space<vmem>>) dst(%dma_wait3A_169 : memref<128x128xf32, #tpu.memory_space<hbm>>)
    %dma_start3A_170 = arith.constant 199 : i32
    %dma_start3A_171 = arith.constant 0 : i32
    %dma_start3A_172 = tpu.memref_slice %arg5[%dma_start3A_170, %dma_start3A_171] : memref<200x128xi32, #tpu.memory_space<vmem>> -> memref<1x128xi32, #tpu.memory_space<vmem>>
    %dma_start3A_173 = tpu.memref_squeeze %dma_start3A_172 : memref<1x128xi32, #tpu.memory_space<vmem>> -> memref<128xi32, #tpu.memory_space<vmem>>
    %dma_start3A_174 = arith.constant 0 : i32
    %dma_start3A_175 = arith.constant 0 : i32
    %dma_start3A_176 = tpu.memref_slice %arg11[%dma_start3A_174, %dma_start3A_175] : memref<1000x128xf32, #tpu.memory_space<vmem_shared>> -> memref<1000x128xf32, #tpu.memory_space<vmem_shared>>
    tpu.enqueue_indirect_dma source(%dma_start3A_176 : memref<1000x128xf32, #tpu.memory_space<vmem_shared>>) target(%arg10 : memref<128x128xf32, #tpu.memory_space<vmem>>) offsets(%dma_start3A_173 : memref<128xi32, #tpu.memory_space<vmem>>) semaphore(%arg16 : memref<!tpu.dma_semaphore, #tpu.memory_space<semaphore_mem>>)
    %dma_wait3A_177 = arith.constant 0 : i32
    %dma_wait3A_178 = arith.constant 0 : i32
    %dma_wait3A_179 = tpu.memref_slice %arg5[%dma_wait3A_177, %dma_wait3A_178] : memref<200x128xi32, #tpu.memory_space<vmem>> -> memref<1x128xi32, #tpu.memory_space<vmem>>
    %dma_wait3A_180 = tpu.memref_squeeze %dma_wait3A_179 : memref<1x128xi32, #tpu.memory_space<vmem>> -> memref<128xi32, #tpu.memory_space<vmem>>
    %dma_wait3A_181 = arith.constant 0 : i32
    %dma_wait3A_182 = arith.constant 0 : i32
    %dma_wait3A_183 = tpu.memref_slice %arg11[%dma_wait3A_181, %dma_wait3A_182] : memref<1000x128xf32, #tpu.memory_space<vmem_shared>> -> memref<1000x128xf32, #tpu.memory_space<vmem_shared>>
    tpu.wait_indirect_dma semaphore(%arg13 : memref<!tpu.dma_semaphore, #tpu.memory_space<semaphore_mem>>) src(%dma_wait3A_183 : memref<1000x128xf32, #tpu.memory_space<vmem_shared>>) dst(%arg7 : memref<128x128xf32, #tpu.memory_space<vmem>>)
    %add3A_184 = arith.constant 25088 : i32
    %add3A_185 = arith.addi %mul3A_2, %add3A_184 : i32
    %dma_start3A_186 = arith.constant 0 : i32
    %dma_start3A_187 = tpu.memref_slice %arg4[%add3A_185, %dma_start3A_186] : memref<819200x128xf32, #tpu.memory_space<hbm>> -> memref<128x128xf32, #tpu.memory_space<hbm>>
    %dma_start3A_188 = arith.constant 0 : i32
    %dma_start3A_189 = tpu.memref_slice %arg4[%add3A_185, %dma_start3A_188] : memref<819200x128xf32, #tpu.memory_space<hbm>> -> memref<128x128xf32, #tpu.memory_space<hbm>>
    tpu.enqueue_dma source(%arg7 : memref<128x128xf32, #tpu.memory_space<vmem>>) target(%dma_start3A_189 : memref<128x128xf32, #tpu.memory_space<hbm>>) target_semaphore(%arg18 : memref<!tpu.dma_semaphore, #tpu.memory_space<semaphore_mem>>)
    %dma_wait3A_190 = arith.constant 0 : i32
    %dma_wait3A_191 = arith.constant 0 : i32
    %dma_wait3A_192 = tpu.memref_slice %arg5[%dma_wait3A_190, %dma_wait3A_191] : memref<200x128xi32, #tpu.memory_space<vmem>> -> memref<1x128xi32, #tpu.memory_space<vmem>>
    %dma_wait3A_193 = tpu.memref_squeeze %dma_wait3A_192 : memref<1x128xi32, #tpu.memory_space<vmem>> -> memref<128xi32, #tpu.memory_space<vmem>>
    %dma_wait3A_194 = arith.constant 0 : i32
    %dma_wait3A_195 = arith.constant 0 : i32
    %dma_wait3A_196 = tpu.memref_slice %arg11[%dma_wait3A_194, %dma_wait3A_195] : memref<1000x128xf32, #tpu.memory_space<vmem_shared>> -> memref<1000x128xf32, #tpu.memory_space<vmem_shared>>
    tpu.wait_indirect_dma semaphore(%arg14 : memref<!tpu.dma_semaphore, #tpu.memory_space<semaphore_mem>>) src(%dma_wait3A_196 : memref<1000x128xf32, #tpu.memory_space<vmem_shared>>) dst(%arg8 : memref<128x128xf32, #tpu.memory_space<vmem>>)
    %add3A_197 = arith.constant 25216 : i32
    %add3A_198 = arith.addi %mul3A_2, %add3A_197 : i32
    %dma_start3A_199 = arith.constant 0 : i32
    %dma_start3A_200 = tpu.memref_slice %arg4[%add3A_198, %dma_start3A_199] : memref<819200x128xf32, #tpu.memory_space<hbm>> -> memref<128x128xf32, #tpu.memory_space<hbm>>
    %dma_start3A_201 = arith.constant 0 : i32
    %dma_start3A_202 = tpu.memref_slice %arg4[%add3A_198, %dma_start3A_201] : memref<819200x128xf32, #tpu.memory_space<hbm>> -> memref<128x128xf32, #tpu.memory_space<hbm>>
    tpu.enqueue_dma source(%arg8 : memref<128x128xf32, #tpu.memory_space<vmem>>) target(%dma_start3A_202 : memref<128x128xf32, #tpu.memory_space<hbm>>) target_semaphore(%arg19 : memref<!tpu.dma_semaphore, #tpu.memory_space<semaphore_mem>>)
    %dma_wait3A_203 = arith.constant 0 : i32
    %dma_wait3A_204 = arith.constant 0 : i32
    %dma_wait3A_205 = tpu.memref_slice %arg5[%dma_wait3A_203, %dma_wait3A_204] : memref<200x128xi32, #tpu.memory_space<vmem>> -> memref<1x128xi32, #tpu.memory_space<vmem>>
    %dma_wait3A_206 = tpu.memref_squeeze %dma_wait3A_205 : memref<1x128xi32, #tpu.memory_space<vmem>> -> memref<128xi32, #tpu.memory_space<vmem>>
    %dma_wait3A_207 = arith.constant 0 : i32
    %dma_wait3A_208 = arith.constant 0 : i32
    %dma_wait3A_209 = tpu.memref_slice %arg11[%dma_wait3A_207, %dma_wait3A_208] : memref<1000x128xf32, #tpu.memory_space<vmem_shared>> -> memref<1000x128xf32, #tpu.memory_space<vmem_shared>>
    tpu.wait_indirect_dma semaphore(%arg15 : memref<!tpu.dma_semaphore, #tpu.memory_space<semaphore_mem>>) src(%dma_wait3A_209 : memref<1000x128xf32, #tpu.memory_space<vmem_shared>>) dst(%arg9 : memref<128x128xf32, #tpu.memory_space<vmem>>)
    %add3A_210 = arith.constant 25344 : i32
    %add3A_211 = arith.addi %mul3A_2, %add3A_210 : i32
    %dma_start3A_212 = arith.constant 0 : i32
    %dma_start3A_213 = tpu.memref_slice %arg4[%add3A_211, %dma_start3A_212] : memref<819200x128xf32, #tpu.memory_space<hbm>> -> memref<128x128xf32, #tpu.memory_space<hbm>>
    %dma_start3A_214 = arith.constant 0 : i32
    %dma_start3A_215 = tpu.memref_slice %arg4[%add3A_211, %dma_start3A_214] : memref<819200x128xf32, #tpu.memory_space<hbm>> -> memref<128x128xf32, #tpu.memory_space<hbm>>
    tpu.enqueue_dma source(%arg9 : memref<128x128xf32, #tpu.memory_space<vmem>>) target(%dma_start3A_215 : memref<128x128xf32, #tpu.memory_space<hbm>>) target_semaphore(%arg20 : memref<!tpu.dma_semaphore, #tpu.memory_space<semaphore_mem>>)
    %dma_wait3A_216 = arith.constant 0 : i32
    %dma_wait3A_217 = arith.constant 0 : i32
    %dma_wait3A_218 = tpu.memref_slice %arg5[%dma_wait3A_216, %dma_wait3A_217] : memref<200x128xi32, #tpu.memory_space<vmem>> -> memref<1x128xi32, #tpu.memory_space<vmem>>
    %dma_wait3A_219 = tpu.memref_squeeze %dma_wait3A_218 : memref<1x128xi32, #tpu.memory_space<vmem>> -> memref<128xi32, #tpu.memory_space<vmem>>
    %dma_wait3A_220 = arith.constant 0 : i32
    %dma_wait3A_221 = arith.constant 0 : i32
    %dma_wait3A_222 = tpu.memref_slice %arg11[%dma_wait3A_220, %dma_wait3A_221] : memref<1000x128xf32, #tpu.memory_space<vmem_shared>> -> memref<1000x128xf32, #tpu.memory_space<vmem_shared>>
    tpu.wait_indirect_dma semaphore(%arg16 : memref<!tpu.dma_semaphore, #tpu.memory_space<semaphore_mem>>) src(%dma_wait3A_222 : memref<1000x128xf32, #tpu.memory_space<vmem_shared>>) dst(%arg10 : memref<128x128xf32, #tpu.memory_space<vmem>>)
    %add3A_223 = arith.constant 25472 : i32
    %add3A_224 = arith.addi %mul3A_2, %add3A_223 : i32
    %dma_start3A_225 = arith.constant 0 : i32
    %dma_start3A_226 = tpu.memref_slice %arg4[%add3A_224, %dma_start3A_225] : memref<819200x128xf32, #tpu.memory_space<hbm>> -> memref<128x128xf32, #tpu.memory_space<hbm>>
    %dma_start3A_227 = arith.constant 0 : i32
    %dma_start3A_228 = tpu.memref_slice %arg4[%add3A_224, %dma_start3A_227] : memref<819200x128xf32, #tpu.memory_space<hbm>> -> memref<128x128xf32, #tpu.memory_space<hbm>>
    tpu.enqueue_dma source(%arg10 : memref<128x128xf32, #tpu.memory_space<vmem>>) target(%dma_start3A_228 : memref<128x128xf32, #tpu.memory_space<hbm>>) target_semaphore(%arg21 : memref<!tpu.dma_semaphore, #tpu.memory_space<semaphore_mem>>)
    %dma_wait3A_229 = arith.constant 0 : i32
    %dma_wait3A_230 = tpu.memref_slice %arg4[%mul3A_2, %dma_wait3A_229] : memref<819200x128xf32, #tpu.memory_space<hbm>> -> memref<128x128xf32, #tpu.memory_space<hbm>>
    %dma_wait3A_231 = arith.constant 0 : i32
    %dma_wait3A_232 = tpu.memref_slice %arg4[%mul3A_2, %dma_wait3A_231] : memref<819200x128xf32, #tpu.memory_space<hbm>> -> memref<128x128xf32, #tpu.memory_space<hbm>>
    tpu.wait_dma2 semaphore(%arg17 : memref<!tpu.dma_semaphore, #tpu.memory_space<semaphore_mem>>) src(%arg6 : memref<128x128xf32, #tpu.memory_space<vmem>>) dst(%dma_wait3A_232 : memref<128x128xf32, #tpu.memory_space<hbm>>)
    %dma_wait3A_233 = arith.constant 0 : i32
    %dma_wait3A_234 = tpu.memref_slice %arg4[%mul3A_2, %dma_wait3A_233] : memref<819200x128xf32, #tpu.memory_space<hbm>> -> memref<128x128xf32, #tpu.memory_space<hbm>>
    %dma_wait3A_235 = arith.constant 0 : i32
    %dma_wait3A_236 = tpu.memref_slice %arg4[%mul3A_2, %dma_wait3A_235] : memref<819200x128xf32, #tpu.memory_space<hbm>> -> memref<128x128xf32, #tpu.memory_space<hbm>>
    tpu.wait_dma2 semaphore(%arg18 : memref<!tpu.dma_semaphore, #tpu.memory_space<semaphore_mem>>) src(%arg7 : memref<128x128xf32, #tpu.memory_space<vmem>>) dst(%dma_wait3A_236 : memref<128x128xf32, #tpu.memory_space<hbm>>)
    %dma_wait3A_237 = arith.constant 0 : i32
    %dma_wait3A_238 = tpu.memref_slice %arg4[%mul3A_2, %dma_wait3A_237] : memref<819200x128xf32, #tpu.memory_space<hbm>> -> memref<128x128xf32, #tpu.memory_space<hbm>>
    %dma_wait3A_239 = arith.constant 0 : i32
    %dma_wait3A_240 = tpu.memref_slice %arg4[%mul3A_2, %dma_wait3A_239] : memref<819200x128xf32, #tpu.memory_space<hbm>> -> memref<128x128xf32, #tpu.memory_space<hbm>>
    tpu.wait_dma2 semaphore(%arg19 : memref<!tpu.dma_semaphore, #tpu.memory_space<semaphore_mem>>) src(%arg8 : memref<128x128xf32, #tpu.memory_space<vmem>>) dst(%dma_wait3A_240 : memref<128x128xf32, #tpu.memory_space<hbm>>)
    %dma_wait3A_241 = arith.constant 0 : i32
    %dma_wait3A_242 = tpu.memref_slice %arg4[%mul3A_2, %dma_wait3A_241] : memref<819200x128xf32, #tpu.memory_space<hbm>> -> memref<128x128xf32, #tpu.memory_space<hbm>>
    %dma_wait3A_243 = arith.constant 0 : i32
    %dma_wait3A_244 = tpu.memref_slice %arg4[%mul3A_2, %dma_wait3A_243] : memref<819200x128xf32, #tpu.memory_space<hbm>> -> memref<128x128xf32, #tpu.memory_space<hbm>>
    tpu.wait_dma2 semaphore(%arg20 : memref<!tpu.dma_semaphore, #tpu.memory_space<semaphore_mem>>) src(%arg9 : memref<128x128xf32, #tpu.memory_space<vmem>>) dst(%dma_wait3A_244 : memref<128x128xf32, #tpu.memory_space<hbm>>)
    %dma_wait3A_245 = arith.constant 0 : i32
    %dma_wait3A_246 = tpu.memref_slice %arg4[%mul3A_2, %dma_wait3A_245] : memref<819200x128xf32, #tpu.memory_space<hbm>> -> memref<128x128xf32, #tpu.memory_space<hbm>>
    %dma_wait3A_247 = arith.constant 0 : i32
    %dma_wait3A_248 = tpu.memref_slice %arg4[%mul3A_2, %dma_wait3A_247] : memref<819200x128xf32, #tpu.memory_space<hbm>> -> memref<128x128xf32, #tpu.memory_space<hbm>>
    tpu.wait_dma2 semaphore(%arg21 : memref<!tpu.dma_semaphore, #tpu.memory_space<semaphore_mem>>) src(%arg10 : memref<128x128xf32, #tpu.memory_space<vmem>>) dst(%dma_wait3A_248 : memref<128x128xf32, #tpu.memory_space<hbm>>)
    return
  }
}

</mosaic_0001>

<sc_bundles>
// kernel: kernel.3.cloned.1.call-start
scs
__scs_entry_jumppad:
0x0: {  	(pc) =	sbr.rel $0x88, $3  }
0x1: {  	(tag) =	ssettag $0x0;
	lr =	simm.s32 $0x1  }
0x2: {  	[smem:$0x3F9F] =	sst lr;
	_ =	strace $0xD0000000  }
0x3: {  	_ = 	snop  }
0x4: {  	_ = 	snop  }
0x5: {  	_ = 	snop  }
0x6: {  	_ = 	snop  }
0x7: {  	_ = 	snop  }
__scs_overlays_trampoline_lowered:
0x8: {  	[smem:$0x3FAE] =	sst s0  }
0x9: {  	[smem:$0x3FAF] =	sst s1  }
0xa: {  	[smem:$0x3FB0] =	sst s2  }
0xb: {  	[smem:$0x3FB1] =	sst s3  }
0xc: {  	[smem:$0x3FB2] =	sst s4  }
0xd: {  	[smem:$0x3FB3] =	sst s5  }
0xe: {  	[smem:$0x3FB4] =	sst s6  }
0xf: {  	[smem:$0x3FB5] =	sst s7  }
0x10: {  	[smem:$0x3FB6] =	sst s8  }
0x11: {  	[smem:$0x3FB7] =	sst s9;
	s0 =	simm.s32 @!p0 $0x0  }
0x12: {  	s1 =	sld [smem:$0x3F9D];
	s0 =	simm.s32 @p0 $0x1  }
0x13: {  	[smem:$0x3FB8] =	sst s0;
	s0 =	simm.s32 @!p1 $0x0  }
0x14: {  	s2 =	sld [smem:$0x3F9C];
	s0 =	simm.s32 @p1 $0x1  }
0x15: {  	[smem:$0x3FB9] =	sst s0;
	s0 =	simm.s32 @!p2 $0x0  }
0x16: {  	s3 =	sld [smem:$0x3FDB];
	s0 =	simm.s32 @p2 $0x1  }
0x17: {  	s4 =	simm.s32 $0x1BF5;
	[smem:$0x3FBB] =	sst s0  }
0x18: {  	s0 =	sld [smem:$0x3F9E];
	_ =	swait.ge [sflag:s4], $0x0  }
0x19: {  	s7 =	sld [smem:$0x3F9F]  }
0x1a: {  	s8 =	sadd.s32 $0xFFFFE003, lr  }
0x1b: {  	s9 =	sadd.s32 $0xFFFFFEF7, lr;
	s5 =	simm.s32 $0xFFFFFFFF;
	p2 =	slt.u32 s8, $0xFFFFF086  }
0x1c: {  	p1 =	slt.u32 s9, $0xF7A;
	s5 =	simm.s32 @!p2 $0x0  }
0x1d: {  	s5 =	simm.s32 @p1 $0x1;
	p0 =	seq.s32 s7, s2  }
0x1e: {  	s7 =	smul.u32 @!p0 $0xF7A, s2;
	p2 =	seq.s32 @!p0 s5, $0x0  }
0x1f: {  	s9 =	smul.u32 $0xF7A, s1;
	s8 =	simm.s32 @!p0 $0x1BF5;
	p2 =	por !p2, p0  }
0x20: {  	[sflag:s8] =	ssyncset.s32 @!p0 $0xFFFFF086;
	s6 =	sadd.s32 @!p0 s3, s7;
	s7 =	simm.s32 @!p0 $0x108  }
0x21: {  	s3 =	sadd.s32 s3, s9;
	s6 =	sadd.s32 @!p0 $0x88, s6;
	s7 =	simm.s32 @p2 $0x1082  }
0x22: {  	[simem:s7], [sflag:s8] =	dma.local @!p0 [hbm:s6], $0xF7A  }
0x23: {  	s9 =	sor.u32 $0xD0000000, s2;
	s6 =	simm.s32 $0x108;
	_ =	swait.ge @!p0 [sflag:s8], $0x0  }
0x24: {  	s3 =	sadd.s32 $0x88, s3;
	s6 =	simm.s32 @!p1 $0x1082;
	[sflag:s4] =	ssyncset.s32 $0xFFFFF086  }
0x25: {  	[simem:s6], [sflag:s4] =	dma.local [hbm:s3], $0xF7A  }
0x26: {  	[smem:$0x3F9F] =	sst s1;
	(tag) =	ssettag s2;
	_ =	strace s9  }
0x27: {  	s1 =	sld [smem:$0x3FAF]  }
0x28: {  	s2 =	sld [smem:$0x3FB0]  }
0x29: {  	s4 =	sld [smem:$0x3FB2]  }
0x2a: {  	p0 =	seq.s32 s5, $0x0;
	s5 =	sld [smem:$0x3FB3]  }
0x2b: {  	s6 =	sld [smem:$0x3FB4]  }
0x2c: {  	s7 =	sld [smem:$0x3FB5]  }
0x2d: {  	s3 =	simm.s32 $0x108;
	s8 =	sld [smem:$0x3FB6]  }
0x2e: {  	s3 =	simm.s32 @!p0 $0x1082;
	s9 =	sld [smem:$0x3FB7]  }
0x2f: {  	lr =	sadd.s32 s0, s3;
	s0 =	sld [smem:$0x3FAE]  }
0x30: {  	s3 =	sld [smem:$0x3FB1]  }
0x31: {  	[smem:$0x3FBA] =	sst s10  }
0x32: {  	s10 =	sld [smem:$0x3FB8];
	_ =	sdelay $0x3  }
0x33: {  	p0 =	seq.s32 s10, $0x1;
	s10 =	sld [smem:$0x3FBA];
	_ =	sdelay $0x3  }
0x34: {  	[smem:$0x3FBA] =	sst s10  }
0x35: {  	s10 =	sld [smem:$0x3FB9];
	_ =	sdelay $0x3  }
0x36: {  	p1 =	seq.s32 s10, $0x1;
	s10 =	sld [smem:$0x3FBA];
	_ =	sdelay $0x3  }
0x37: {  	[smem:$0x3FBA] =	sst s10  }
0x38: {  	s10 =	sld [smem:$0x3FBB]  }
0x39: {  	_ = 	snop;
	(pc) =	sbr.ind lr, $3  }
0x3a: {  	_ = 	snop  }
0x3b: {  	_ = 	snop  }
0x3c: {  	p2 =	seq.s32 s10, $0x1;
	s10 =	sld [smem:$0x3FBA]  }
0x3d: {  	_ =	shalt  }
0x3e: {  	_ =	shalt  }
0x3f: {  	_ =	shalt  }
0x40: {  	_ =	shalt  }
0x41: {  	_ =	shalt  }
0x42: {  	_ =	shalt  }
0x43: {  	_ =	shalt  }
0x44: {  	_ =	shalt  }
0x45: {  	_ =	shalt  }
0x46: {  	_ =	shalt  }
0x47: {  	_ =	shalt  }
0x48: {  	_ =	shalt  }
0x49: {  	_ =	shalt  }
0x4a: {  	_ =	shalt  }
0x4b: {  	_ =	shalt  }
0x4c: {  	_ =	shalt  }
0x4d: {  	_ =	shalt  }
0x4e: {  	_ =	shalt  }
0x4f: {  	_ =	shalt  }
0x50: {  	_ =	shalt  }
0x51: {  	_ =	shalt  }
0x52: {  	_ =	shalt  }
0x53: {  	_ =	shalt  }
0x54: {  	_ =	shalt  }
0x55: {  	_ =	shalt  }
0x56: {  	_ =	shalt  }
0x57: {  	_ =	shalt  }
0x58: {  	_ =	shalt  }
0x59: {  	_ =	shalt  }
0x5a: {  	_ =	shalt  }
0x5b: {  	_ =	shalt  }
0x5c: {  	_ =	shalt  }
0x5d: {  	_ =	shalt  }
0x5e: {  	_ =	shalt  }
0x5f: {  	_ =	shalt  }
0x60: {  	_ =	shalt  }
0x61: {  	_ =	shalt  }
0x62: {  	_ =	shalt  }
0x63: {  	_ =	shalt  }
0x64: {  	_ =	shalt  }
0x65: {  	_ =	shalt  }
0x66: {  	_ =	shalt  }
0x67: {  	_ =	shalt  }
0x68: {  	_ =	shalt  }
0x69: {  	_ =	shalt  }
0x6a: {  	_ =	shalt  }
0x6b: {  	_ =	shalt  }
0x6c: {  	_ =	shalt  }
0x6d: {  	_ =	shalt  }
0x6e: {  	_ =	shalt  }
0x6f: {  	_ =	shalt  }
0x70: {  	_ =	shalt  }
0x71: {  	_ =	shalt  }
0x72: {  	_ =	shalt  }
0x73: {  	_ =	shalt  }
0x74: {  	_ =	shalt  }
0x75: {  	_ =	shalt  }
0x76: {  	_ =	shalt  }
0x77: {  	_ =	shalt  }
0x78: {  	_ =	shalt  }
0x79: {  	_ =	shalt  }
0x7a: {  	_ =	shalt  }
0x7b: {  	_ =	shalt  }
0x7c: {  	_ =	shalt  }
0x7d: {  	_ =	shalt  }
0x7e: {  	_ =	shalt  }
0x7f: {  	_ =	shalt  }
0x80: {  	_ =	shalt  }
0x81: {  	_ =	shalt  }
0x82: {  	_ =	shalt  }
0x83: {  	_ =	shalt  }
0x84: {  	_ =	shalt  }
0x85: {  	_ =	shalt  }
0x86: {  	_ =	shalt  }
0x87: {  	_ =	shalt  }
.Lfunc_end0:
.L_simem_size_0:
called_computation_lowered:
.L_overlay_start_0:
0x88: {  	s2 =	sld [smem:$0x3FD9]  }
0x89: {  	s3 =	sld [smem:$0x3FFE];
	_ =	sdelay $0x1  }
0x8a: {  	s1 =	srdreg.scid  }
0x8b: {  	s0 =	sand.u32 $0x1, s1  }
0x8c: {  	s17 =	sshll.u32 s0, $0xA;
	s2 =	sadd.s32 s3, s2  }
0x8d: {  	s2 =	sadd.s32 s2, s17  }
0x8e: {  	[smem:$0x3FC6] =	sst s2  }
0x8f: {  	_ = 	snop  }
0x90: {  	s2 =	sld [smem:$0x3FC8]  }
0x91: {  	s18 =	sld [smem:$0x3FD0];
	(tm) =	ssettm $0x1  }
0x92: {  	s4 =	sld [smem:$0x3FFB];
	_ =	sdelay $0x3  }
0x93: {  	_ =	strace s4  }
0x94: {  	s4 =	sld [smem:$0x3FFC];
	_ =	sdelay $0x3  }
0x95: {  	_ =	strace s4  }
0x96: {  	s4 =	sld [smem:$0x3FFD];
	_ =	sdelay $0x3  }
0x97: {  	_ =	strace s4  }
0x98: {  	_ =	strace $0x8FFFFFFF  }
0x99: {  	s19 =	sld [smem:$0x3FDB];
	_ =	sdelay $0x1  }
0x9a: {  	s5 =	simm.s32 $_scs_section_size  }
0x9b: {  	s6 =	simm.s32 $_size__tile_overlayer_lowered;
	s7 =	simm.s32 $_tile_overlayer_lowered  }
0x9c: {  	s22 =	simm.s32 $0x1BFF;
	s21 =	sshll.u32 s7, $0x1;
	s4 =	sadd.s32 s5, s19  }
0x9d: {  	s8 =	simm.s32 $0x0;
	s20 =	sshll.u32 s6, $0x1;
	s6 =	sadd.s32 s21, s4  }
0x9e: {  	[timem:s8], [sflag:s22] =	dma.local [hbm:s6], s20  }
0x9f: {  	_ =	swait.ge [sflag:s22], s20  }
0xa0: {  	s5 =	ssub.s32 $0x0, s20;
	[sflag:s22] =	ssyncset.done $0x0  }
0xa1: {  	[sflag:s22] =	ssyncadd.s32 s5;
	_ =	sdelay $0x1  }
0xa2: {  	s23 =	simm.s32 $0x1B8B  }
0xa3: {  	_ =	swait.ge [sflag:s23], $0x1  }
0xa4: {  	[sflag:s23] =	ssyncset.done $0x0  }
0xa5: {  	s25 =	simm.s32 $0x1B8E;
	s24 =	sld [smem:$0x3FFE];
	[sflag:s23] =	ssyncadd.s32 $0xFFFFFFFF  }
0xa6: {  	s26 =	simm.s32 $execute0_lowered;
	[smem:$0x3FD2] =	sst s25  }
0xa7: {  	s6 =	sshll.u32 s26, $0x1;
	_ =	strace $0x80000046;
	[dreg:$0x1] =	wrdreg $0xFFFFFFFF  }
0xa8: {  	s28 =	simm.s32 $_size_execute0_lowered;
	s4 =	sadd.s32 s4, s6;
	[dreg:$0x0] =	wrdreg $0x0  }
0xa9: {  	s6 =	sshll.u32 s28, $0x1;
	[dreg:$0x2] =	wrdreg s4  }
0xaa: {  	[dreg:$0x3] =	wrdreg s6  }
0xab: {  	[dreg:$0x4] =	wrdreg $0xC0  }
0xac: {  	_ =	task [dreg:s8], $0x5FFFF  }
0xad: {  	[dreg:$0x1] =	wrdreg $0xFFFFFFFF  }
0xae: {  	[dreg:$0x0] =	wrdreg $0x60  }
0xaf: {  	[dreg:$0x2] =	wrdreg s24  }
0xb0: {  	[dreg:$0x3] =	wrdreg s2  }
0xb1: {  	[dreg:$0x4] =	wrdreg s18  }
0xb2: {  	[dreg:$0x5] =	wrdreg $0x1A4000  }
0xb3: {  	[dreg:$0x6] =	wrdreg $0x9  }
0xb4: {  	_ =	task.clear_ibuf [dreg:s8], $0x7FFFF;
	_ =	strace $0x90000046  }
0xb5: {  	s29 =	simm.s32 $0x9;
	_ =	strace $0x80000048  }
0xb6: {  	_ =	swait.ge [sflag:s29], $0x1  }
0xb7: {  	[sflag:s29] =	ssyncadd.s32 $0xFFFFFFFF  }
0xb8: {  	_ =	strace $0x90000048  }
0xb9: {  	_ =	sfence  }
0xba: {  	s30 =	sld [smem:$0x0];
	_ =	sdelay $0x2  }
0xbb: {  	s31 =	sshll.u32 s1, $0xD;
	s1 =	sshrl.u32 s1, $0x2  }
0xbc: {  	s3 =	sand.u32 $0x4000, s31;
	s1 =	sadd.s32 s1, s30  }
0xbd: {  	s0 =	sor.u32 s3, s0;
	s1 =	sshll.u32 s1, $0x11  }
0xbe: {  	s0 =	sor.u32 s1, s0  }
0xbf: {  	s0 =	sadd.s32 $0x8F2B, s0  }
0xc0: {  	[sflag:s0] =	ssyncadd.remote.s32 $0x1  }
0xc1: {  	_ =	sfence.sel $0xFFFF  }
0xc2: {  	[dreg:$0x0] =	wrdreg $0xFFFFFFFF;
	(pc) =	sbr.abs _section_cstart, $3  }
0xc3: {  	[dreg:$0x1] =	wrdreg $0xFFFFFFFF  }
0xc4: {  	_ =	task.clear_ibuf [dreg:s8], $0x2FFFF;
	_ =	strace $0x9FFFFFFF  }
0xc5: {  	(tm) =	ssettm $0x7FFFFFFF  }
tec
execute0_lowered:
.L_overlay_start_1:
0x0: {  	(tag) =	ssettag $0x1  }
0x1: {  	s0 =	rddreg [dreg:$0x0]  }
0x2: {  	s1 =	rddreg [dreg:$0x2];
	s3 =	srdreg.scid  }
0x3: {  	s4 =	stileid.u32;
	s2 =	rddreg [dreg:$0x3];
	s29 =	simm.s32 $0x16400  }
0x4: {  	s30 =	simm.s32 $0x2;
	s31 =	simm.s32 $0x6;
	s28 =	simm.s32 $0x4  }
0x5: {  	s6 =	sand.u32 $0x1, s3;
	s5 =	sshll.u32 s4, $0x1;
	s22 =	smul.u32 $0xC8000, s4  }
0x6: {  	s5 =	sor.u32 s6, s5;
	s8 =	ssub.s32 $0x2, s6;
	s6 =	smul.u32 $0x64000, s6  }
0x7: {  	s3 =	simm.s32 $0x0;
	p0 =	sne.s32 s4, $0x0;
	s9 =	smul.u32 $0x64000, s5  }
0x8: {  	s4 =	simm.s32 $0x9;
	[smem:$0x7FF] =	sst s3;
	s7 =	smul.u32 $0x6400, s5  }
0x9: {  	_ =	strace $0x80000047;
	s10 =	smul.u32 $0x320000, s5;
	s5 =	sadd.s32 s1, s9  }
0xa: {  	s17 =	sshrl.u32 s8, $0x1;
	s7 =	sshrl.u32 s7, $0x3;
	s18 =	sadd.s32 $0x800, s5  }
0xb: {  	s20 =	sshrl.u32 s10, $0x3;
	s19 =	sadd.s32 $0x1000, s5;
	[dreg:$0x6] =	wrdreg s18  }
0xc: {  	s0 =	sadd.s32 s7, s0;
	s21 =	sadd.s32 $0x1800, s5;
	[dreg:$0x7] =	wrdreg s19  }
0xd: {  	s7 =	ssub.s32 s8, s17;
	s9 =	sadd.s32 $0x2000, s5;
	[dreg:$0x8] =	wrdreg s21  }
0xe: {  	s17 =	sshrl.u32 @!p0 s2, $0x3;
	s0 =	sadd.s32 $0x400, s0;
	[dreg:$0x9] =	wrdreg s9  }
0xf: {  	s15 =	smax.u32 s7, $0x1;
	s18 =	simm.s32 $0xB;
	s19 =	simm.s32 $0x80  }
0x10: {  	s21 =	simm.s32 $0xA400;
	s7 =	simm.s32 $0x0;
	[dreg:$0x5] =	wrdreg s0  }
0x11: {  	s0 =	sadd.s32 s1, s20;
	s1 =	sadd.s32 s22, s1;
	s20 =	simm.s32 $0x6400  }
0x12: {  	s22 =	simm.s32 $0x7;
	s23 =	sadd.s32 $0x61800, s0;
	s24 =	sadd.s32 $0x62000, s0  }
0x13: {  	s25 =	sadd.s32 $0x62800, s0;
	s13 =	sadd.s32 $0x63000, s0;
	s14 =	sadd.s32 $0x63800, s0  }
0x14: {  	s26 =	sadd.s32 s6, s1;
	s0 =	simm.s32 $0x3;
	[dreg:$0xa] =	wrdreg s23  }
0x15: {  	s1 =	simm.s32 $0x8;
	s6 =	simm.s32 $0xA;
	[dreg:$0xb] =	wrdreg s24  }
0x16: {  	[dreg:$0xc] =	wrdreg s25;
	s10 =	sadd.s32 $0x4800, s26;
	s23 =	simm.s32 $0xE400  }
0x17: {  	s25 =	simm.s32 $0x12400;
	s26 =	simm.s32 $0x1;
	s24 =	simm.s32 $0x5  }
.LBB2_1:
0x18: {  	s8 =	simm.s32 @!p0 $0x1C0B;
	s9 =	rddreg [dreg:$0x1]  }
0x19: {  	[spmem:s17], [sflag:s8] =	dma.local @!p0 [hbm:s9], $0x3E80  }
0x1a: {  	s8 =	simm.s32 @!p0 $0xB  }
0x1b: {  	_ =	swait.ge @!p0 [sflag:s8], $0x3E80  }
0x1c: {  	[sflag:s8] =	ssyncset.done @!p0 $0x0  }
0x1d: {  	s9 =	rddreg [dreg:$0x5];
	[sflag:s8] =	ssyncadd.s32 @!p0 $0xFFFFC180  }
0x1e: {  	[tilespmem:s3], [sflag:$0xB] =	stream.linear.gather [hbm4b:s9+s3], $0x6400, $0x38;
	[tilespmem:$0x1C340] =	vst v63  }
0x1f: {  	_ =	swait.ge [sflag:s18], $0x6400  }
0x20: {  	[sflag:s18] =	ssyncset.done $0x0  }
0x21: {  	[sflag:s18] =	ssyncadd.s32 $0xFFFF9C00  }
0x22: {  	[bflag:$0x0] =	sbarrier.arrive $0xFFFF  }
0x23: {  	[tilespmem:s20], [sflag:$0x1] =	stream.indirect.gather [spmem:s2], $0x80, s3, s19, $0xb8;
	[tilespmem:$0x1C340] =	vst v63  }
0x24: {  	_ = 	snop  }
0x25: {  	[tilespmem:s21], [sflag:$0x2] =	stream.indirect.gather [spmem:s2], $0x80, s19, s19, $0xb8;
	[tilespmem:$0x1C340] =	vst v63  }
0x26: {  	s11 =	simm.s32 $0x100  }
0x27: {  	[tilespmem:s23], [sflag:$0x3] =	stream.indirect.gather [spmem:s2], $0x80, s11, s19, $0xb8;
	[tilespmem:$0x1C340] =	vst v63  }
0x28: {  	s12 =	simm.s32 $0x180  }
0x29: {  	[tilespmem:s25], [sflag:$0x4] =	stream.indirect.gather [spmem:s2], $0x80, s12, s19, $0xb8;
	[tilespmem:$0x1C340] =	vst v63  }
0x2a: {  	_ =	swait.ge [sflag:s26], $0x4000  }
0x2b: {  	[sflag:s26] =	ssyncset.done $0x0  }
0x2c: {  	[sflag:s26] =	ssyncadd.s32 $0xFFFFC000  }
0x2d: {  	[hbm4b:s5+s3] =	stream.linear.scatter [tilespmem:s20], [sflag:$0x6], $0x4000, $0x38;
	[tilespmem:$0x1C340] =	vst v63  }
0x2e: {  	s16 =	simm.s32 $0x200  }
0x2f: {  	[tilespmem:s29], [sflag:$0x5] =	stream.indirect.gather [spmem:s2], $0x80, s16, s19, $0xb8;
	[tilespmem:$0x1C340] =	vst v63  }
0x30: {  	_ =	swait.ge [sflag:s30], $0x4000  }
0x31: {  	[sflag:s30] =	ssyncset.done $0x0  }
0x32: {  	s9 =	rddreg [dreg:$0x6];
	[sflag:s30] =	ssyncadd.s32 $0xFFFFC000  }
0x33: {  	[hbm4b:s9+s3] =	stream.linear.scatter [tilespmem:s21], [sflag:$0x7], $0x4000, $0x38;
	[tilespmem:$0x1C340] =	vst v63  }
0x34: {  	_ =	swait.ge [sflag:s31], $0x4000  }
0x35: {  	[sflag:s31] =	ssyncset.done $0x0  }
0x36: {  	s11 =	simm.s32 $0x280;
	[sflag:s31] =	ssyncadd.s32 $0xFFFFC000  }
0x37: {  	[tilespmem:s20], [sflag:$0x1] =	stream.indirect.gather [spmem:s2], $0x80, s11, s19, $0xb8;
	[tilespmem:$0x1C340] =	vst v63  }
0x38: {  	_ =	swait.ge [sflag:s0], $0x4000  }
0x39: {  	[sflag:s0] =	ssyncset.done $0x0  }
0x3a: {  	s12 =	rddreg [dreg:$0x7];
	[sflag:s0] =	ssyncadd.s32 $0xFFFFC000  }
0x3b: {  	[hbm4b:s12+s3] =	stream.linear.scatter [tilespmem:s23], [sflag:$0x8], $0x4000, $0x38;
	[tilespmem:$0x1C340] =	vst v63  }
0x3c: {  	_ =	swait.ge [sflag:s22], $0x4000  }
0x3d: {  	[sflag:s22] =	ssyncset.done $0x0  }
0x3e: {  	s16 =	simm.s32 $0x300;
	[sflag:s22] =	ssyncadd.s32 $0xFFFFC000  }
0x3f: {  	[tilespmem:s21], [sflag:$0x2] =	stream.indirect.gather [spmem:s2], $0x80, s16, s19, $0xb8;
	[tilespmem:$0x1C340] =	vst v63  }
0x40: {  	_ =	swait.ge [sflag:s28], $0x4000  }
0x41: {  	[sflag:s28] =	ssyncset.done $0x0  }
0x42: {  	s9 =	rddreg [dreg:$0x8];
	[sflag:s28] =	ssyncadd.s32 $0xFFFFC000  }
0x43: {  	[hbm4b:s9+s3] =	stream.linear.scatter [tilespmem:s25], [sflag:$0x9], $0x4000, $0x38;
	[tilespmem:$0x1C340] =	vst v63  }
0x44: {  	_ =	swait.ge [sflag:s1], $0x4000  }
0x45: {  	[sflag:s1] =	ssyncset.done $0x0  }
0x46: {  	s11 =	simm.s32 $0x380;
	[sflag:s1] =	ssyncadd.s32 $0xFFFFC000  }
0x47: {  	[tilespmem:s23], [sflag:$0x3] =	stream.indirect.gather [spmem:s2], $0x80, s11, s19, $0xb8;
	[tilespmem:$0x1C340] =	vst v63  }
0x48: {  	_ =	swait.ge [sflag:s24], $0x4000  }
0x49: {  	[sflag:s24] =	ssyncset.done $0x0  }
0x4a: {  	s12 =	rddreg [dreg:$0x9];
	[sflag:s24] =	ssyncadd.s32 $0xFFFFC000  }
0x4b: {  	[hbm4b:s12+s3] =	stream.linear.scatter [tilespmem:s29], [sflag:$0xA], $0x4000, $0x38;
	[tilespmem:$0x1C340] =	vst v63  }
0x4c: {  	_ =	swait.ge [sflag:s4], $0x4000  }
0x4d: {  	[sflag:s4] =	ssyncset.done $0x0  }
0x4e: {  	s16 =	simm.s32 $0x400;
	[sflag:s4] =	ssyncadd.s32 $0xFFFFC000  }
0x4f: {  	[tilespmem:s25], [sflag:$0x4] =	stream.indirect.gather [spmem:s2], $0x80, s16, s19, $0xb8;
	[tilespmem:$0x1C340] =	vst v63  }
0x50: {  	_ =	swait.ge [sflag:s26], $0x4000  }
0x51: {  	[sflag:s26] =	ssyncset.done $0x0  }
0x52: {  	s9 =	sadd.s32 $0xFFFFE000, s10;
	[sflag:s26] =	ssyncadd.s32 $0xFFFFC000  }
0x53: {  	[hbm4b:s9+s3] =	stream.linear.scatter [tilespmem:s20], [sflag:$0x6], $0x4000, $0x38;
	[tilespmem:$0x1C340] =	vst v63  }
0x54: {  	_ =	swait.ge [sflag:s6], $0x4000  }
0x55: {  	[sflag:s6] =	ssyncset.done $0x0  }
0x56: {  	s11 =	simm.s32 $0x480;
	[sflag:s6] =	ssyncadd.s32 $0xFFFFC000  }
0x57: {  	[tilespmem:s29], [sflag:$0x5] =	stream.indirect.gather [spmem:s2], $0x80, s11, s19, $0xb8;
	[tilespmem:$0x1C340] =	vst v63  }
0x58: {  	_ =	swait.ge [sflag:s30], $0x4000  }
0x59: {  	[sflag:s30] =	ssyncset.done $0x0  }
0x5a: {  	s12 =	sadd.s32 $0xFFFFE800, s10;
	[sflag:s30] =	ssyncadd.s32 $0xFFFFC000  }
0x5b: {  	[hbm4b:s12+s3] =	stream.linear.scatter [tilespmem:s21], [sflag:$0x7], $0x4000, $0x38;
	[tilespmem:$0x1C340] =	vst v63  }
0x5c: {  	_ =	swait.ge [sflag:s31], $0x4000  }
0x5d: {  	[sflag:s31] =	ssyncset.done $0x0  }
0x5e: {  	s16 =	simm.s32 $0x500;
	[sflag:s31] =	ssyncadd.s32 $0xFFFFC000  }
0x5f: {  	[tilespmem:s20], [sflag:$0x1] =	stream.indirect.gather [spmem:s2], $0x80, s16, s19, $0xb8;
	[tilespmem:$0x1C340] =	vst v63  }
0x60: {  	_ =	swait.ge [sflag:s0], $0x4000  }
0x61: {  	[sflag:s0] =	ssyncset.done $0x0  }
0x62: {  	s9 =	sadd.s32 $0xFFFFF000, s10;
	[sflag:s0] =	ssyncadd.s32 $0xFFFFC000  }
0x63: {  	[hbm4b:s9+s3] =	stream.linear.scatter [tilespmem:s23], [sflag:$0x8], $0x4000, $0x38;
	[tilespmem:$0x1C340] =	vst v63  }
0x64: {  	_ =	swait.ge [sflag:s22], $0x4000  }
0x65: {  	[sflag:s22] =	ssyncset.done $0x0  }
0x66: {  	s11 =	simm.s32 $0x580;
	[sflag:s22] =	ssyncadd.s32 $0xFFFFC000  }
0x67: {  	[tilespmem:s21], [sflag:$0x2] =	stream.indirect.gather [spmem:s2], $0x80, s11, s19, $0xb8;
	[tilespmem:$0x1C340] =	vst v63  }
0x68: {  	_ =	swait.ge [sflag:s28], $0x4000  }
0x69: {  	[sflag:s28] =	ssyncset.done $0x0  }
0x6a: {  	s12 =	sadd.s32 $0xFFFFF800, s10;
	[sflag:s28] =	ssyncadd.s32 $0xFFFFC000  }
0x6b: {  	[hbm4b:s12+s3] =	stream.linear.scatter [tilespmem:s25], [sflag:$0x9], $0x4000, $0x38;
	[tilespmem:$0x1C340] =	vst v63  }
0x6c: {  	_ =	swait.ge [sflag:s1], $0x4000  }
0x6d: {  	[sflag:s1] =	ssyncset.done $0x0  }
0x6e: {  	s16 =	simm.s32 $0x600;
	[sflag:s1] =	ssyncadd.s32 $0xFFFFC000  }
0x6f: {  	[tilespmem:s23], [sflag:$0x3] =	stream.indirect.gather [spmem:s2], $0x80, s16, s19, $0xb8;
	[tilespmem:$0x1C340] =	vst v63  }
0x70: {  	_ =	swait.ge [sflag:s24], $0x4000  }
0x71: {  	s8 =	simm.s32 $0xA00;
	[sflag:s24] =	ssyncset.done $0x0  }
0x72: {  	s9 =	sadd.s32 $0x2800, s10;
	s16 =	smov.u32 s10;
	[sflag:s24] =	ssyncadd.s32 $0xFFFFC000  }
.LBB2_2:
0x73: {  	[hbm4b:s16+s3] =	stream.linear.scatter [tilespmem:s29], [sflag:$0xA], $0x4000, $0x38;
	[tilespmem:$0x1C340] =	vst v63  }
0x74: {  	s11 =	smov.u32 s8;
	s16 =	smov.u32 s9  }
0x75: {  	p1 =	sne.s32 s8, $0x17200;
	s8 =	sadd.s32 $0xA00, s8;
	_ =	swait.ge [sflag:s4], $0x4000  }
0x76: {  	s11 =	sshra.s32 s11, $0x2;
	[sflag:s4] =	ssyncset.done $0x0  }
0x77: {  	s12 =	sadd.s32 $0x400, s11;
	[sflag:s4] =	ssyncadd.s32 $0xFFFFC000  }
0x78: {  	[tilespmem:s25], [sflag:$0x4] =	stream.indirect.gather [spmem:s2], $0x80, s12, s19, $0xb8;
	[tilespmem:$0x1C340] =	vst v63  }
0x79: {  	_ =	swait.ge [sflag:s26], $0x4000  }
0x7a: {  	[sflag:s26] =	ssyncset.done $0x0  }
0x7b: {  	s12 =	sadd.s32 $0xFFFFE000, s9;
	[sflag:s26] =	ssyncadd.s32 $0xFFFFC000  }
0x7c: {  	[hbm4b:s12+s3] =	stream.linear.scatter [tilespmem:s20], [sflag:$0x6], $0x4000, $0x38;
	[tilespmem:$0x1C340] =	vst v63  }
0x7d: {  	_ =	swait.ge [sflag:s6], $0x4000  }
0x7e: {  	[sflag:s6] =	ssyncset.done $0x0  }
0x7f: {  	s12 =	sadd.s32 $0x480, s11;
	[sflag:s6] =	ssyncadd.s32 $0xFFFFC000  }
0x80: {  	[tilespmem:s29], [sflag:$0x5] =	stream.indirect.gather [spmem:s2], $0x80, s12, s19, $0xb8;
	[tilespmem:$0x1C340] =	vst v63  }
0x81: {  	_ =	swait.ge [sflag:s30], $0x4000  }
0x82: {  	[sflag:s30] =	ssyncset.done $0x0  }
0x83: {  	s12 =	sadd.s32 $0xFFFFE800, s9;
	[sflag:s30] =	ssyncadd.s32 $0xFFFFC000  }
0x84: {  	[hbm4b:s12+s3] =	stream.linear.scatter [tilespmem:s21], [sflag:$0x7], $0x4000, $0x38;
	[tilespmem:$0x1C340] =	vst v63  }
0x85: {  	_ =	swait.ge [sflag:s31], $0x4000  }
0x86: {  	[sflag:s31] =	ssyncset.done $0x0  }
0x87: {  	s12 =	sadd.s32 $0x500, s11;
	[sflag:s31] =	ssyncadd.s32 $0xFFFFC000  }
0x88: {  	[tilespmem:s20], [sflag:$0x1] =	stream.indirect.gather [spmem:s2], $0x80, s12, s19, $0xb8;
	[tilespmem:$0x1C340] =	vst v63  }
0x89: {  	_ =	swait.ge [sflag:s0], $0x4000  }
0x8a: {  	[sflag:s0] =	ssyncset.done $0x0  }
0x8b: {  	s12 =	sadd.s32 $0xFFFFF000, s9;
	[sflag:s0] =	ssyncadd.s32 $0xFFFFC000  }
0x8c: {  	[hbm4b:s12+s3] =	stream.linear.scatter [tilespmem:s23], [sflag:$0x8], $0x4000, $0x38;
	[tilespmem:$0x1C340] =	vst v63  }
0x8d: {  	_ =	swait.ge [sflag:s22], $0x4000  }
0x8e: {  	[sflag:s22] =	ssyncset.done $0x0  }
0x8f: {  	s12 =	sadd.s32 $0x580, s11;
	[sflag:s22] =	ssyncadd.s32 $0xFFFFC000  }
0x90: {  	[tilespmem:s21], [sflag:$0x2] =	stream.indirect.gather [spmem:s2], $0x80, s12, s19, $0xb8;
	[tilespmem:$0x1C340] =	vst v63  }
0x91: {  	_ =	swait.ge [sflag:s28], $0x4000  }
0x92: {  	[sflag:s28] =	ssyncset.done $0x0  }
0x93: {  	s12 =	sadd.s32 $0xFFFFF800, s9;
	[sflag:s28] =	ssyncadd.s32 $0xFFFFC000  }
0x94: {  	[hbm4b:s12+s3] =	stream.linear.scatter [tilespmem:s25], [sflag:$0x9], $0x4000, $0x38;
	[tilespmem:$0x1C340] =	vst v63  }
0x95: {  	_ =	swait.ge [sflag:s1], $0x4000  }
0x96: {  	[sflag:s1] =	ssyncset.done $0x0  }
.Ltmp0:
0x97: {  	s11 =	sadd.s32 $0x600, s11;
	[sflag:s1] =	ssyncadd.s32 $0xFFFFC000;
	(pc) =	sbr.rel @p1 .LBB2_2-.Ltmp0, $4  }
0x98: {  	[tilespmem:s23], [sflag:$0x3] =	stream.indirect.gather [spmem:s2], $0x80, s11, s19, $0xb8;
	[tilespmem:$0x1C340] =	vst v63  }
0x99: {  	_ =	swait.ge [sflag:s24], $0x4000  }
0x9a: {  	[sflag:s24] =	ssyncset.done $0x0  }
0x9b: {  	s9 =	sadd.s32 $0x2800, s9;
	[sflag:s24] =	ssyncadd.s32 $0xFFFFC000  }
0x9c: {  	[hbm4b:s16+s3] =	stream.linear.scatter [tilespmem:s29], [sflag:$0xA], $0x4000, $0x38;
	[tilespmem:$0x1C340] =	vst v63  }
0x9d: {  	_ =	swait.ge [sflag:s4], $0x4000  }
0x9e: {  	[sflag:s4] =	ssyncset.done $0x0  }
0x9f: {  	s8 =	simm.s32 $0x6300;
	[sflag:s4] =	ssyncadd.s32 $0xFFFFC000  }
0xa0: {  	[tilespmem:s25], [sflag:$0x4] =	stream.indirect.gather [spmem:s2], $0x80, s8, s19, $0xb8;
	[tilespmem:$0x1C340] =	vst v63  }
0xa1: {  	_ =	swait.ge [sflag:s26], $0x4000  }
0xa2: {  	[sflag:s26] =	ssyncset.done $0x0  }
0xa3: {  	s9 =	rddreg [dreg:$0xa];
	[sflag:s26] =	ssyncadd.s32 $0xFFFFC000  }
0xa4: {  	[hbm4b:s9+s3] =	stream.linear.scatter [tilespmem:s20], [sflag:$0x6], $0x4000, $0x38;
	[tilespmem:$0x1C340] =	vst v63  }
0xa5: {  	_ =	swait.ge [sflag:s6], $0x4000  }
0xa6: {  	[sflag:s6] =	ssyncset.done $0x0  }
0xa7: {  	s11 =	simm.s32 $0x6380;
	[sflag:s6] =	ssyncadd.s32 $0xFFFFC000  }
0xa8: {  	[tilespmem:s29], [sflag:$0x5] =	stream.indirect.gather [spmem:s2], $0x80, s11, s19, $0xb8;
	[tilespmem:$0x1C340] =	vst v63  }
0xa9: {  	_ =	swait.ge [sflag:s30], $0x4000  }
0xaa: {  	[sflag:s30] =	ssyncset.done $0x0  }
0xab: {  	s12 =	rddreg [dreg:$0xb];
	[sflag:s30] =	ssyncadd.s32 $0xFFFFC000  }
0xac: {  	[hbm4b:s12+s3] =	stream.linear.scatter [tilespmem:s21], [sflag:$0x7], $0x4000, $0x38;
	[tilespmem:$0x1C340] =	vst v63  }
0xad: {  	_ =	swait.ge [sflag:s0], $0x4000  }
0xae: {  	[sflag:s0] =	ssyncset.done $0x0  }
0xaf: {  	s16 =	rddreg [dreg:$0xc];
	[sflag:s0] =	ssyncadd.s32 $0xFFFFC000  }
0xb0: {  	[hbm4b:s16+s3] =	stream.linear.scatter [tilespmem:s23], [sflag:$0x8], $0x4000, $0x38;
	[tilespmem:$0x1C340] =	vst v63  }
0xb1: {  	_ =	swait.ge [sflag:s28], $0x4000  }
0xb2: {  	[sflag:s28] =	ssyncset.done $0x0  }
0xb3: {  	[sflag:s28] =	ssyncadd.s32 $0xFFFFC000  }
0xb4: {  	[hbm4b:s13+s3] =	stream.linear.scatter [tilespmem:s25], [sflag:$0x9], $0x4000, $0x38;
	[tilespmem:$0x1C340] =	vst v63  }
0xb5: {  	_ =	swait.ge [sflag:s24], $0x4000  }
0xb6: {  	[sflag:s24] =	ssyncset.done $0x0  }
0xb7: {  	[sflag:s24] =	ssyncadd.s32 $0xFFFFC000  }
0xb8: {  	[hbm4b:s14+s3] =	stream.linear.scatter [tilespmem:s29], [sflag:$0xA], $0x4000, $0x38;
	[tilespmem:$0x1C340] =	vst v63  }
0xb9: {  	_ =	swait.ge [sflag:s31], $0x4000  }
0xba: {  	[sflag:s31] =	ssyncset.done $0x0  }
0xbb: {  	[sflag:s31] =	ssyncadd.s32 $0xFFFFC000  }
0xbc: {  	_ =	swait.ge [sflag:s22], $0x4000  }
0xbd: {  	[sflag:s22] =	ssyncset.done $0x0  }
0xbe: {  	[sflag:s22] =	ssyncadd.s32 $0xFFFFC000  }
0xbf: {  	_ =	swait.ge [sflag:s1], $0x4000  }
0xc0: {  	[sflag:s1] =	ssyncset.done $0x0  }
0xc1: {  	s7 =	sadd.s32 $0x1, s7;
	[sflag:s1] =	ssyncadd.s32 $0xFFFFC000  }
0xc2: {  	p1 =	sne.s32 s7, s15;
	_ =	swait.ge [sflag:s4], $0x4000  }
.Ltmp1:
0xc3: {  	[sflag:s4] =	ssyncset.done $0x0;
	(pc) =	sbr.rel @p1 .LBB2_1-.Ltmp1, $4  }
0xc4: {  	[sflag:s4] =	ssyncadd.s32 $0xFFFFC000  }
0xc5: {  	_ =	swait.ge [sflag:s6], $0x4000  }
0xc6: {  	[sflag:s6] =	ssyncset.done $0x0  }
0xc7: {  	[sflag:s6] =	ssyncadd.s32 $0xFFFFC000  }
0xc8: {  	_ =	sfence.sel $0x180000  }
0xc9: {  	[bflag:$0x0] =	sbarrier.arrive $0xFFFF  }
0xca: {  	_ =	strace $0x90000047  }
0xcb: {  	[bflag:$0x2] =	sbarrier.arrive $0xFFFF  }
0xcc: {  	s0 =	rddreg [dreg:$0x4]  }
0xcd: {  	s0 =	sadd.s32 @!p0 $0x100000, s0  }
0xce: {  	[sflag:s0] =	ssyncadd.tile.s32 @!p0 $0x1;
	_ =	shalt  }
.Lfunc_end2:
_tile_overlayer_lowered:
.L_overlay_start_2:
0xcf: {  	(tag) =	ssettag $0x2  }
0xd0: {  	s0 =	rddreg [dreg:$0x0];
	s2 =	stileid.u32  }
0xd1: {  	s1 =	rddreg [dreg:$0x1];
	p0 =	sne.s32 s2, $0x0  }
0xd2: {  	s3 =	rddreg [dreg:$0x2];
	[bflag:$0x3] =	sbarrier.arrive $0xFFFF;
	s2 =	simm.s32 @!p0 $0x1C0B  }
0xd3: {  	[timem:s3], [sflag:s2] =	dma.local @!p0 [hbm:s0], s1  }
0xd4: {  	s0 =	simm.s32 @!p0 $0xB  }
0xd5: {  	_ =	swait.ge @!p0 [sflag:s0], s1  }
0xd6: {  	s1 =	ssub.s32 @!p0 $0x0, s1;
	[sflag:s0] =	ssyncset.done @!p0 $0x0  }
0xd7: {  	[sflag:s0] =	ssyncadd.s32 @!p0 s1  }
0xd8: {  	[bflag:$0x3] =	sbarrier.arrive $0xFFFF  }
0xd9: {  	_ =	shalt  }

</sc_bundles>
